<compile_context>
chip_gen: v7x
topology: tpu7x:2x2x1
jax: 0.10.2.dev20260603
libtpu: 0.0.44.dev20260713+nightly
codegen_flags: <defaults>
</compile_context>

<pallas_src>
import jax
import jax.numpy as jnp
from jax import lax
from jax.experimental import pallas as pl
from jax.experimental.pallas import tpu as pltpu
from jax.experimental.pallas import tpu_sc as plsc

N = 10000
E = 320000
F = 128
NCLS = 40
CP = 48

NC, NS, LANES = 2, 16, 16
NW = NC * NS
EPW = E // NW
CHUNK = 100
NCH = EPW // CHUNK
NH = NCH // 2
RPW = N // NS

_mesh = plsc.VectorSubcoreMesh(core_axis_name="c", subcore_axis_name="s")
_sc_params = pltpu.CompilerParams(use_tc_tiling_on_sc=False)


def _make_agg(fw, chunk=CHUNK):
    nch = EPW // chunk
    nh = nch // 2

    def body(h_hbm, srcb_hbm, dstb_hbm, zrow_hbm, out_hbm,
             isrc, idst, rows0, rows1, acc, gsem0, gsem1, ssem0, ssem1):
        c = lax.axis_index("c")
        s = lax.axis_index("s")
        wid = s * NC + c
        r0 = s * RPW

        pltpu.sync_copy(srcb_hbm.at[wid], isrc)
        pltpu.sync_copy(dstb_hbm.at[wid], idst)
        pltpu.sync_copy(zrow_hbm.at[pl.ds(r0, RPW)], acc.at[pl.ds(r0, RPW)])
        plsc.subcore_barrier()

        pltpu.async_copy(h_hbm.at[isrc.at[0]], rows0, gsem0)

        @pl.loop(0, nh)
        def step(j):
            i0 = 2 * j
            i1 = i0 + 1
            pltpu.make_async_copy(h_hbm.at[isrc.at[i0]], rows0, gsem0).wait()

            @pl.when(j > 0)
            def _():
                pltpu.make_async_copy(rows1, acc.at[idst.at[i0 - 1]],
                                      ssem1).wait()

            pltpu.async_copy(h_hbm.at[isrc.at[i1]], rows1, gsem1)
            pltpu.async_copy(rows0, acc.at[idst.at[i0]], ssem0, add=True)
            pltpu.make_async_copy(h_hbm.at[isrc.at[i1]], rows1, gsem1).wait()
            pltpu.make_async_copy(rows0, acc.at[idst.at[i0]], ssem0).wait()
            pltpu.async_copy(rows1, acc.at[idst.at[i1]], ssem1, add=True)

            @pl.when(j < nh - 1)
            def _():
                pltpu.async_copy(h_hbm.at[isrc.at[i0 + 2]], rows0, gsem0)

        pltpu.make_async_copy(rows1, acc.at[idst.at[nch - 1]], ssem1).wait()
        plsc.subcore_barrier()
        pltpu.sync_copy(acc.at[pl.ds(r0, RPW)],
                        out_hbm.at[c, pl.ds(r0, RPW)])

    return pl.kernel(
        body,
        out_type=jax.ShapeDtypeStruct((NC, N, fw), jnp.float32),
        mesh=_mesh,
        scratch_types=(
            pltpu.VMEM((nch, chunk), jnp.int32),
            pltpu.VMEM((nch, chunk), jnp.int32),
            pltpu.VMEM((chunk, fw), jnp.float32),
            pltpu.VMEM((chunk, fw), jnp.float32),
            pltpu.VMEM_SHARED((N, fw), jnp.float32),
            pltpu.SemaphoreType.DMA,
            pltpu.SemaphoreType.DMA,
            pltpu.SemaphoreType.DMA,
            pltpu.SemaphoreType.DMA,
        ),
        compiler_params=_sc_params,
    )


_agg = _make_agg(F)
CP_CHUNK = 125
_agg_cp = _make_agg(CP, CP_CHUNK)


def _deg_body(dstb_hbm, zdeg_hbm, ones_hbm, deg_hbm,
              idst, ones_v, dacc, ssem):
    c = lax.axis_index("c")
    s = lax.axis_index("s")
    wid = s * NC + c
    r0 = s * RPW

    pltpu.sync_copy(dstb_hbm.at[wid], idst)
    pltpu.sync_copy(ones_hbm, ones_v)
    pltpu.sync_copy(zdeg_hbm.at[pl.ds(r0, RPW)], dacc.at[pl.ds(r0, RPW)])
    plsc.subcore_barrier()

    @pl.loop(0, NCH)
    def step(i):
        pltpu.async_copy(ones_v, dacc.at[idst.at[i]], ssem, add=True)

        @pl.when(i >= 8)
        def _():
            pltpu.make_async_copy(ones_v, dacc.at[idst.at[0]], ssem).wait()

    for _ in range(8):
        pltpu.make_async_copy(ones_v, dacc.at[idst.at[0]], ssem).wait()
    plsc.subcore_barrier()
    pltpu.sync_copy(dacc.at[pl.ds(r0, RPW)],
                    deg_hbm.at[c, pl.ds(r0, RPW)])


_deg = pl.kernel(
    _deg_body,
    out_type=jax.ShapeDtypeStruct((NC, N, LANES), jnp.float32),
    mesh=_mesh,
    scratch_types=(
        pltpu.VMEM((NCH, CHUNK), jnp.int32),
        pltpu.VMEM((CHUNK, LANES), jnp.float32),
        pltpu.VMEM_SHARED((N, LANES), jnp.float32),
        pltpu.SemaphoreType.DMA,
    ),
    compiler_params=_sc_params,
)


_RB = 1000


def _dot_t(a, w):
    return lax.dot_general(a, w, (((1,), (1,)), ((), ())),
                           preferred_element_type=jnp.float32)


def _tc_layer_body(h_ref, sums_ref, deg_ref, ws_ref, wn_ref, b_ref,
                   g_ref, be_ref, mu_ref, var_ref, o_ref):
    h = h_ref[...]
    sums = sums_ref[0] + sums_ref[1]
    deg = deg_ref[0, :, 0:1] + deg_ref[1, :, 0:1]
    hn = sums / jnp.maximum(deg, 1.0)
    z = _dot_t(h, ws_ref[...]) + _dot_t(hn, wn_ref[...]) + b_ref[...]
    scale = g_ref[...] * lax.rsqrt(var_ref[...] + 1e-5)
    shift = be_ref[...] - mu_ref[...] * scale
    y = z * scale + shift
    o_ref[...] = jnp.where(y >= 0, y, 0.01 * y)


def _tc_layer2_body(h_ref, sums_ref, deg_ref, ws_ref, wn_ref, b_ref,
                    g_ref, be_ref, mu_ref, var_ref, wn3p_ref,
                    o_ref, p_ref):
    h = h_ref[...]
    sums = sums_ref[0] + sums_ref[1]
    deg = deg_ref[0, :, 0:1] + deg_ref[1, :, 0:1]
    hn = sums / jnp.maximum(deg, 1.0)
    z = _dot_t(h, ws_ref[...]) + _dot_t(hn, wn_ref[...]) + b_ref[...]
    scale = g_ref[...] * lax.rsqrt(var_ref[...] + 1e-5)
    shift = be_ref[...] - mu_ref[...] * scale
    y = z * scale + shift
    h2 = jnp.where(y >= 0, y, 0.01 * y)
    o_ref[...] = h2
    p_ref[...] = _dot_t(h2, wn3p_ref[...])


def _tc_final_body(h_ref, psums_ref, deg_ref, ws3_ref, b3_ref, o_ref):
    h = h_ref[...]
    psums = psums_ref[0] + psums_ref[1]
    deg = deg_ref[0, :, 0:1] + deg_ref[1, :, 0:1]
    pn = psums / jnp.maximum(deg, 1.0)
    o_ref[...] = _dot_t(h, ws3_ref[...]) + b3_ref[...] + pn[:, :NCLS]


def _row_spec(w):
    return pl.BlockSpec((_RB, w), lambda i: (i, 0))


def _full_spec(shape):
    nd = len(shape)
    return pl.BlockSpec(shape, lambda i, _n=nd: (0,) * _n)


def _sums_spec(w):
    return pl.BlockSpec((NC, _RB, w), lambda i: (0, i, 0))


_GRID = N // _RB

_tc_layer = pl.pallas_call(
    _tc_layer_body,
    grid=(_GRID,),
    in_specs=[_row_spec(F), _sums_spec(F), _sums_spec(LANES),
              _full_spec((F, F)), _full_spec((F, F)), _full_spec((1, F)),
              _full_spec((1, F)), _full_spec((1, F)), _full_spec((1, F)),
              _full_spec((1, F))],
    out_specs=_row_spec(F),
    out_shape=jax.ShapeDtypeStruct((N, F), jnp.float32),
)

_tc_layer2 = pl.pallas_call(
    _tc_layer2_body,
    grid=(_GRID,),
    in_specs=[_row_spec(F), _sums_spec(F), _sums_spec(LANES),
              _full_spec((F, F)), _full_spec((F, F)), _full_spec((1, F)),
              _full_spec((1, F)), _full_spec((1, F)), _full_spec((1, F)),
              _full_spec((1, F)), _full_spec((CP, F))],
    out_specs=[_row_spec(F), _row_spec(CP)],
    out_shape=[jax.ShapeDtypeStruct((N, F), jnp.float32),
               jax.ShapeDtypeStruct((N, CP), jnp.float32)],
)

_tc_final = pl.pallas_call(
    _tc_final_body,
    grid=(_GRID,),
    in_specs=[_row_spec(F), _sums_spec(CP), _sums_spec(LANES),
              _full_spec((NCLS, F)), _full_spec((1, NCLS))],
    out_specs=_row_spec(NCLS),
    out_shape=jax.ShapeDtypeStruct((N, NCLS), jnp.float32),
)


def kernel(x, edge_index, W_self1, W_neigh1, b1, W_self2, W_neigh2, b2,
           W_self3, W_neigh3, b3, bn_gamma, bn_beta, bn_mean, bn_var):
    zrow = jnp.zeros((N, F), jnp.float32)
    zdeg = jnp.zeros((N, LANES), jnp.float32)
    ones = jnp.ones((CHUNK, LANES), jnp.float32)

    r1 = lambda v: v.reshape(1, -1)
    g, be, mu, var = r1(bn_gamma), r1(bn_beta), r1(bn_mean), r1(bn_var)

    wn3p = jnp.pad(W_neigh3, ((0, CP - W_neigh3.shape[0]), (0, 0)))

    srcb = edge_index[0].reshape(NW, NCH, CHUNK)
    dstb = edge_index[1].reshape(NW, NCH, CHUNK)

    degp = _deg(dstb, zdeg, ones)
    sums1 = _agg(x, srcb, dstb, zrow)
    h1 = _tc_layer(x, sums1, degp, W_self1, W_neigh1, r1(b1),
                   g, be, mu, var)
    sums2 = _agg(h1, srcb, dstb, zrow)
    h2, p3 = _tc_layer2(h1, sums2, degp, W_self2, W_neigh2, r1(b2),
                        g, be, mu, var, wn3p)
    srcb2 = edge_index[0].reshape(NW, EPW // CP_CHUNK, CP_CHUNK)
    dstb2 = edge_index[1].reshape(NW, EPW // CP_CHUNK, CP_CHUNK)
    psums = _agg_cp(p3, srcb2, dstb2, zrow[:, :CP])
    return _tc_final(h2, psums, degp, W_self3, r1(b3))

# --- scband reference (transcript-rebuilt; emitter-appended) ---
"""Pipeline reference for scband-model-1846835938003 (READ-ONLY COPY).

The authoritative reference and input builder live on the scoring server;
editing this copy changes nothing except your own understanding.
"""

import jax, jax.numpy as jnp
import numpy as np

N_NODES = 10000
N_EDGES = 320000
IN_FEATS = 128
H_FEATS = 128
NUM_CLASSES = 40


def setup_inputs(seed: int = 0):
    key = jax.random.key(seed)
    ks = jax.random.split(key, 12)
    x = jax.random.normal(ks[0], (N_NODES, IN_FEATS), dtype=jnp.float32)
    edge_index = jax.random.randint(ks[1], (2, N_EDGES), 0, N_NODES, dtype=jnp.int32)

    def lin(k, out_d, in_d):
        return jax.random.normal(k, (out_d, in_d), dtype=jnp.float32) * (1.0 / np.sqrt(in_d))

    return {
        "x": x,
        "edge_index": edge_index,
        "W_self1": lin(ks[2], H_FEATS, IN_FEATS),
        "W_neigh1": lin(ks[3], H_FEATS, IN_FEATS),
        "b1": jnp.zeros((H_FEATS,), jnp.float32),
        "W_self2": lin(ks[4], H_FEATS, H_FEATS),
        "W_neigh2": lin(ks[5], H_FEATS, H_FEATS),
        "b2": jnp.zeros((H_FEATS,), jnp.float32),
        "W_self3": lin(ks[6], NUM_CLASSES, H_FEATS),
        "W_neigh3": lin(ks[7], NUM_CLASSES, H_FEATS),
        "b3": jnp.zeros((NUM_CLASSES,), jnp.float32),
        "bn_gamma": jnp.ones((H_FEATS,), jnp.float32),
        "bn_beta": jnp.zeros((H_FEATS,), jnp.float32),
        "bn_mean": jnp.zeros((H_FEATS,), jnp.float32),
        "bn_var": jnp.ones((H_FEATS,), jnp.float32),
    }


def _sage(h, src, dst, Wself, Wneigh, b):
    # DGL SAGEConv with aggregator_type='mean':
    # h_neigh = mean over in-neighbors (src -> dst); zero-degree nodes get 0.
    msg = jnp.take(h, src, axis=0)
    sums = jax.ops.segment_sum(msg, dst, num_segments=N_NODES)
    deg = jax.ops.segment_sum(jnp.ones((src.shape[0],), jnp.float32), dst, num_segments=N_NODES)
    h_neigh = sums / jnp.clip(deg, 1.0, None)[:, None]
    return h @ Wself.T + h_neigh @ Wneigh.T + b


def _bn(h, gamma, beta, mean, var):
    # BatchNorm1d in eval mode with default running stats (mean=0, var=1)
    return (h - mean) / jnp.sqrt(var + 1e-5) * gamma + beta


def reference(x, edge_index, W_self1, W_neigh1, b1, W_self2, W_neigh2, b2,
              W_self3, W_neigh3, b3, bn_gamma, bn_beta, bn_mean, bn_var):
    src = edge_index[0]
    dst = edge_index[1]
    h = _sage(x, src, dst, W_self1, W_neigh1, b1)
    h = jax.nn.leaky_relu(_bn(h, bn_gamma, bn_beta, bn_mean, bn_var), negative_slope=0.01)
    # dropout: identity in eval mode
    h = _sage(h, src, dst, W_self2, W_neigh2, b2)
    h = jax.nn.leaky_relu(_bn(h, bn_gamma, bn_beta, bn_mean, bn_var), negative_slope=0.01)
    h = _sage(h, src, dst, W_self3, W_neigh3, b3)
    return h

if __name__ == "__main__":
    import jax
    _d = setup_inputs()
    print(jax.jit(kernel)(*tuple(_d.values())))

</pallas_src>

<mosaic_0001>
#map = affine_map<(d0, d1) -> (0, 0, 0)>
#map1 = affine_map<(d0, d1) -> (0, 0)>
module attributes {stable_mosaic.version = 14 : i64} {
  func.func @_deg_body(%arg0: i32, %arg1: i32, %arg2: memref<32x100x100xi32, #tpu.memory_space<hbm>>, %arg3: memref<10000x16xf32, #tpu.memory_space<hbm>>, %arg4: memref<100x16xf32, #tpu.memory_space<hbm>>, %arg5: memref<2x10000x16xf32, #tpu.memory_space<hbm>>, %arg6: memref<100x100xi32, #tpu.memory_space<vmem>>, %arg7: memref<100x16xf32, #tpu.memory_space<vmem>>, %arg8: memref<10000x16xf32, #tpu.memory_space<vmem_shared>>, %arg9: memref<!tpu.dma_semaphore, #tpu.memory_space<semaphore_mem>>) attributes {dimension_semantics = [#tpu.dimension_semantics<core_parallel>, #tpu.dimension_semantics<subcore_parallel>], iteration_bounds = array<i64: 2, 16>, scalar_prefetch = 0 : i64, scratch_operands = 4 : i64, tpu.core_type = #tpu.core_type<sc_vector_subcore>, window_params = [{transform_indices = #map}, {transform_indices = #map1}, {transform_indices = #map1}, {transform_indices = #map}]} {
    %mul3A = arith.constant 2 : i32
    %mul3A_0 = arith.muli %arg1, %mul3A : i32
    %add3A = arith.addi %mul3A_0, %arg0 : i32
    %mul3A_1 = arith.constant 625 : i32
    %mul3A_2 = arith.muli %arg1, %mul3A_1 : i32
    "tpu.region"() ({
      %run_scoped3A = tpu.sem_alloc : memref<!tpu.dma_semaphore, #tpu.memory_space<semaphore_mem>>
      %dma_start3A = arith.constant 0 : i32
      %dma_start3A_63 = arith.constant 0 : i32
      %dma_start3A_64 = tpu.memref_slice %arg2[%add3A, %dma_start3A, %dma_start3A_63] : memref<32x100x100xi32, #tpu.memory_space<hbm>> -> memref<1x100x100xi32, #tpu.memory_space<hbm>>
      %dma_start3A_65 = tpu.memref_squeeze %dma_start3A_64 : memref<1x100x100xi32, #tpu.memory_space<hbm>> -> memref<100x100xi32, #tpu.memory_space<hbm>>
      %dma_start3A_66 = arith.constant 0 : i32
      %dma_start3A_67 = arith.constant 0 : i32
      %dma_start3A_68 = tpu.memref_slice %arg2[%add3A, %dma_start3A_66, %dma_start3A_67] : memref<32x100x100xi32, #tpu.memory_space<hbm>> -> memref<1x100x100xi32, #tpu.memory_space<hbm>>
      %dma_start3A_69 = tpu.memref_squeeze %dma_start3A_68 : memref<1x100x100xi32, #tpu.memory_space<hbm>> -> memref<100x100xi32, #tpu.memory_space<hbm>>
      tpu.enqueue_dma source(%dma_start3A_69 : memref<100x100xi32, #tpu.memory_space<hbm>>) target(%arg6 : memref<100x100xi32, #tpu.memory_space<vmem>>) target_semaphore(%run_scoped3A : memref<!tpu.dma_semaphore, #tpu.memory_space<semaphore_mem>>)
      %dma_wait3A_70 = arith.constant 0 : i32
      %dma_wait3A_71 = arith.constant 0 : i32
      %dma_wait3A_72 = tpu.memref_slice %arg2[%add3A, %dma_wait3A_70, %dma_wait3A_71] : memref<32x100x100xi32, #tpu.memory_space<hbm>> -> memref<1x100x100xi32, #tpu.memory_space<hbm>>
      %dma_wait3A_73 = tpu.memref_squeeze %dma_wait3A_72 : memref<1x100x100xi32, #tpu.memory_space<hbm>> -> memref<100x100xi32, #tpu.memory_space<hbm>>
      %dma_wait3A_74 = arith.constant 0 : i32
      %dma_wait3A_75 = arith.constant 0 : i32
      %dma_wait3A_76 = tpu.memref_slice %arg2[%add3A, %dma_wait3A_74, %dma_wait3A_75] : memref<32x100x100xi32, #tpu.memory_space<hbm>> -> memref<1x100x100xi32, #tpu.memory_space<hbm>>
      %dma_wait3A_77 = tpu.memref_squeeze %dma_wait3A_76 : memref<1x100x100xi32, #tpu.memory_space<hbm>> -> memref<100x100xi32, #tpu.memory_space<hbm>>
      tpu.wait_dma2 semaphore(%run_scoped3A : memref<!tpu.dma_semaphore, #tpu.memory_space<semaphore_mem>>) src(%dma_wait3A_77 : memref<100x100xi32, #tpu.memory_space<hbm>>) dst(%arg6 : memref<100x100xi32, #tpu.memory_space<vmem>>)
      tpu.yield
    }) : () -> ()
    "tpu.region"() ({
      %run_scoped3A = tpu.sem_alloc : memref<!tpu.dma_semaphore, #tpu.memory_space<semaphore_mem>>
      tpu.enqueue_dma source(%arg4 : memref<100x16xf32, #tpu.memory_space<hbm>>) target(%arg7 : memref<100x16xf32, #tpu.memory_space<vmem>>) target_semaphore(%run_scoped3A : memref<!tpu.dma_semaphore, #tpu.memory_space<semaphore_mem>>)
      tpu.wait_dma2 semaphore(%run_scoped3A : memref<!tpu.dma_semaphore, #tpu.memory_space<semaphore_mem>>) src(%arg4 : memref<100x16xf32, #tpu.memory_space<hbm>>) dst(%arg7 : memref<100x16xf32, #tpu.memory_space<vmem>>)
      tpu.yield
    }) : () -> ()
    "tpu.region"() ({
      %run_scoped3A = tpu.sem_alloc : memref<!tpu.dma_semaphore, #tpu.memory_space<semaphore_mem>>
      %dma_start3A = arith.constant 0 : i32
      %dma_start3A_63 = tpu.memref_slice %arg8[%mul3A_2, %dma_start3A] : memref<10000x16xf32, #tpu.memory_space<vmem_shared>> -> memref<625x16xf32, #tpu.memory_space<vmem_shared>>
      %dma_start3A_64 = arith.constant 0 : i32
      %dma_start3A_65 = tpu.memref_slice %arg3[%mul3A_2, %dma_start3A_64] : memref<10000x16xf32, #tpu.memory_space<hbm>> -> memref<625x16xf32, #tpu.memory_space<hbm>>
      tpu.enqueue_dma source(%dma_start3A_65 : memref<625x16xf32, #tpu.memory_space<hbm>>) target(%dma_start3A_63 : memref<625x16xf32, #tpu.memory_space<vmem_shared>>) target_semaphore(%run_scoped3A : memref<!tpu.dma_semaphore, #tpu.memory_space<semaphore_mem>>)
      %dma_wait3A_66 = arith.constant 0 : i32
      %dma_wait3A_67 = tpu.memref_slice %arg8[%mul3A_2, %dma_wait3A_66] : memref<10000x16xf32, #tpu.memory_space<vmem_shared>> -> memref<625x16xf32, #tpu.memory_space<vmem_shared>>
      %dma_wait3A_68 = arith.constant 0 : i32
      %dma_wait3A_69 = tpu.memref_slice %arg3[%mul3A_2, %dma_wait3A_68] : memref<10000x16xf32, #tpu.memory_space<hbm>> -> memref<625x16xf32, #tpu.memory_space<hbm>>
      tpu.wait_dma2 semaphore(%run_scoped3A : memref<!tpu.dma_semaphore, #tpu.memory_space<semaphore_mem>>) src(%dma_wait3A_69 : memref<625x16xf32, #tpu.memory_space<hbm>>) dst(%dma_wait3A_67 : memref<625x16xf32, #tpu.memory_space<vmem_shared>>)
      tpu.yield
    }) : () -> ()
    %barrier3A = arith.constant 0 : index
    tpu.barrier barrier_id(%barrier3A)
    %scan3A = arith.constant 0 : i32
    %scan3A_3 = arith.constant 100 : i32
    %scan3A_4 = arith.addi %scan3A, %scan3A_3 : i32
    %scan3A_5 = arith.constant 1 : i32
    scf.for %scan3A_63 = %scan3A to %scan3A_4 step %scan3A_5  : i32 {
      %mul3A_64 = arith.constant 1 : i32
      %mul3A_65 = arith.muli %scan3A_63, %mul3A_64 : i32
      %add3A_66 = arith.constant 0 : i32
      %add3A_67 = arith.addi %add3A_66, %mul3A_65 : i32
      %dma_start3A = arith.constant 0 : i32
      %dma_start3A_68 = tpu.memref_slice %arg6[%add3A_67, %dma_start3A] : memref<100x100xi32, #tpu.memory_space<vmem>> -> memref<1x100xi32, #tpu.memory_space<vmem>>
      %dma_start3A_69 = tpu.memref_squeeze %dma_start3A_68 : memref<1x100xi32, #tpu.memory_space<vmem>> -> memref<100xi32, #tpu.memory_space<vmem>>
      %dma_start3A_70 = arith.constant 0 : i32
      %dma_start3A_71 = arith.constant 0 : i32
      %dma_start3A_72 = tpu.memref_slice %arg8[%dma_start3A_70, %dma_start3A_71] : memref<10000x16xf32, #tpu.memory_space<vmem_shared>> -> memref<10000x16xf32, #tpu.memory_space<vmem_shared>>
      tpu.enqueue_indirect_dma source(%arg7 : memref<100x16xf32, #tpu.memory_space<vmem>>) target(%dma_start3A_72 : memref<10000x16xf32, #tpu.memory_space<vmem_shared>>) offsets(%dma_start3A_69 : memref<100xi32, #tpu.memory_space<vmem>>) semaphore(%arg9 : memref<!tpu.dma_semaphore, #tpu.memory_space<semaphore_mem>>) {add = true}
      %ge3A = arith.constant 8 : i32
      %ge3A_73 = arith.cmpi sge, %add3A_67, %ge3A : i32
      %convert_element_type3A = arith.extui %ge3A_73 : i1 to i32
      %cond3A = arith.constant 0 : i32
      %cond3A_74 = arith.cmpi ne, %convert_element_type3A, %cond3A : i32
      scf.if %cond3A_74 {
        %dma_wait3A_75 = arith.constant 0 : i32
        %dma_wait3A_76 = arith.constant 0 : i32
        %dma_wait3A_77 = tpu.memref_slice %arg6[%dma_wait3A_75, %dma_wait3A_76] : memref<100x100xi32, #tpu.memory_space<vmem>> -> memref<1x100xi32, #tpu.memory_space<vmem>>
        %dma_wait3A_78 = tpu.memref_squeeze %dma_wait3A_77 : memref<1x100xi32, #tpu.memory_space<vmem>> -> memref<100xi32, #tpu.memory_space<vmem>>
        %dma_wait3A_79 = arith.constant 0 : i32
        %dma_wait3A_80 = arith.constant 0 : i32
        %dma_wait3A_81 = tpu.memref_slice %arg8[%dma_wait3A_79, %dma_wait3A_80] : memref<10000x16xf32, #tpu.memory_space<vmem_shared>> -> memref<10000x16xf32, #tpu.memory_space<vmem_shared>>
        tpu.wait_indirect_dma semaphore(%arg9 : memref<!tpu.dma_semaphore, #tpu.memory_space<semaphore_mem>>) src(%arg7 : memref<100x16xf32, #tpu.memory_space<vmem>>) dst(%dma_wait3A_81 : memref<10000x16xf32, #tpu.memory_space<vmem_shared>>)
      } else {
      }
    }
    %scan3A_6 = arith.constant 100 : i32
    %dma_wait3A = arith.constant 0 : i32
    %dma_wait3A_7 = arith.constant 0 : i32
    %dma_wait3A_8 = tpu.memref_slice %arg6[%dma_wait3A, %dma_wait3A_7] : memref<100x100xi32, #tpu.memory_space<vmem>> -> memref<1x100xi32, #tpu.memory_space<vmem>>
    %dma_wait3A_9 = tpu.memref_squeeze %dma_wait3A_8 : memref<1x100xi32, #tpu.memory_space<vmem>> -> memref<100xi32, #tpu.memory_space<vmem>>
    %dma_wait3A_10 = arith.constant 0 : i32
    %dma_wait3A_11 = arith.constant 0 : i32
    %dma_wait3A_12 = tpu.memref_slice %arg8[%dma_wait3A_10, %dma_wait3A_11] : memref<10000x16xf32, #tpu.memory_space<vmem_shared>> -> memref<10000x16xf32, #tpu.memory_space<vmem_shared>>
    tpu.wait_indirect_dma semaphore(%arg9 : memref<!tpu.dma_semaphore, #tpu.memory_space<semaphore_mem>>) src(%arg7 : memref<100x16xf32, #tpu.memory_space<vmem>>) dst(%dma_wait3A_12 : memref<10000x16xf32, #tpu.memory_space<vmem_shared>>)
    %dma_wait3A_13 = arith.constant 0 : i32
    %dma_wait3A_14 = arith.constant 0 : i32
    %dma_wait3A_15 = tpu.memref_slice %arg6[%dma_wait3A_13, %dma_wait3A_14] : memref<100x100xi32, #tpu.memory_space<vmem>> -> memref<1x100xi32, #tpu.memory_space<vmem>>
    %dma_wait3A_16 = tpu.memref_squeeze %dma_wait3A_15 : memref<1x100xi32, #tpu.memory_space<vmem>> -> memref<100xi32, #tpu.memory_space<vmem>>
    %dma_wait3A_17 = arith.constant 0 : i32
    %dma_wait3A_18 = arith.constant 0 : i32
    %dma_wait3A_19 = tpu.memref_slice %arg8[%dma_wait3A_17, %dma_wait3A_18] : memref<10000x16xf32, #tpu.memory_space<vmem_shared>> -> memref<10000x16xf32, #tpu.memory_space<vmem_shared>>
    tpu.wait_indirect_dma semaphore(%arg9 : memref<!tpu.dma_semaphore, #tpu.memory_space<semaphore_mem>>) src(%arg7 : memref<100x16xf32, #tpu.memory_space<vmem>>) dst(%dma_wait3A_19 : memref<10000x16xf32, #tpu.memory_space<vmem_shared>>)
    %dma_wait3A_20 = arith.constant 0 : i32
    %dma_wait3A_21 = arith.constant 0 : i32
    %dma_wait3A_22 = tpu.memref_slice %arg6[%dma_wait3A_20, %dma_wait3A_21] : memref<100x100xi32, #tpu.memory_space<vmem>> -> memref<1x100xi32, #tpu.memory_space<vmem>>
    %dma_wait3A_23 = tpu.memref_squeeze %dma_wait3A_22 : memref<1x100xi32, #tpu.memory_space<vmem>> -> memref<100xi32, #tpu.memory_space<vmem>>
    %dma_wait3A_24 = arith.constant 0 : i32
    %dma_wait3A_25 = arith.constant 0 : i32
    %dma_wait3A_26 = tpu.memref_slice %arg8[%dma_wait3A_24, %dma_wait3A_25] : memref<10000x16xf32, #tpu.memory_space<vmem_shared>> -> memref<10000x16xf32, #tpu.memory_space<vmem_shared>>
    tpu.wait_indirect_dma semaphore(%arg9 : memref<!tpu.dma_semaphore, #tpu.memory_space<semaphore_mem>>) src(%arg7 : memref<100x16xf32, #tpu.memory_space<vmem>>) dst(%dma_wait3A_26 : memref<10000x16xf32, #tpu.memory_space<vmem_shared>>)
    %dma_wait3A_27 = arith.constant 0 : i32
    %dma_wait3A_28 = arith.constant 0 : i32
    %dma_wait3A_29 = tpu.memref_slice %arg6[%dma_wait3A_27, %dma_wait3A_28] : memref<100x100xi32, #tpu.memory_space<vmem>> -> memref<1x100xi32, #tpu.memory_space<vmem>>
    %dma_wait3A_30 = tpu.memref_squeeze %dma_wait3A_29 : memref<1x100xi32, #tpu.memory_space<vmem>> -> memref<100xi32, #tpu.memory_space<vmem>>
    %dma_wait3A_31 = arith.constant 0 : i32
    %dma_wait3A_32 = arith.constant 0 : i32
    %dma_wait3A_33 = tpu.memref_slice %arg8[%dma_wait3A_31, %dma_wait3A_32] : memref<10000x16xf32, #tpu.memory_space<vmem_shared>> -> memref<10000x16xf32, #tpu.memory_space<vmem_shared>>
    tpu.wait_indirect_dma semaphore(%arg9 : memref<!tpu.dma_semaphore, #tpu.memory_space<semaphore_mem>>) src(%arg7 : memref<100x16xf32, #tpu.memory_space<vmem>>) dst(%dma_wait3A_33 : memref<10000x16xf32, #tpu.memory_space<vmem_shared>>)
    %dma_wait3A_34 = arith.constant 0 : i32
    %dma_wait3A_35 = arith.constant 0 : i32
    %dma_wait3A_36 = tpu.memref_slice %arg6[%dma_wait3A_34, %dma_wait3A_35] : memref<100x100xi32, #tpu.memory_space<vmem>> -> memref<1x100xi32, #tpu.memory_space<vmem>>
    %dma_wait3A_37 = tpu.memref_squeeze %dma_wait3A_36 : memref<1x100xi32, #tpu.memory_space<vmem>> -> memref<100xi32, #tpu.memory_space<vmem>>
    %dma_wait3A_38 = arith.constant 0 : i32
    %dma_wait3A_39 = arith.constant 0 : i32
    %dma_wait3A_40 = tpu.memref_slice %arg8[%dma_wait3A_38, %dma_wait3A_39] : memref<10000x16xf32, #tpu.memory_space<vmem_shared>> -> memref<10000x16xf32, #tpu.memory_space<vmem_shared>>
    tpu.wait_indirect_dma semaphore(%arg9 : memref<!tpu.dma_semaphore, #tpu.memory_space<semaphore_mem>>) src(%arg7 : memref<100x16xf32, #tpu.memory_space<vmem>>) dst(%dma_wait3A_40 : memref<10000x16xf32, #tpu.memory_space<vmem_shared>>)
    %dma_wait3A_41 = arith.constant 0 : i32
    %dma_wait3A_42 = arith.constant 0 : i32
    %dma_wait3A_43 = tpu.memref_slice %arg6[%dma_wait3A_41, %dma_wait3A_42] : memref<100x100xi32, #tpu.memory_space<vmem>> -> memref<1x100xi32, #tpu.memory_space<vmem>>
    %dma_wait3A_44 = tpu.memref_squeeze %dma_wait3A_43 : memref<1x100xi32, #tpu.memory_space<vmem>> -> memref<100xi32, #tpu.memory_space<vmem>>
    %dma_wait3A_45 = arith.constant 0 : i32
    %dma_wait3A_46 = arith.constant 0 : i32
    %dma_wait3A_47 = tpu.memref_slice %arg8[%dma_wait3A_45, %dma_wait3A_46] : memref<10000x16xf32, #tpu.memory_space<vmem_shared>> -> memref<10000x16xf32, #tpu.memory_space<vmem_shared>>
    tpu.wait_indirect_dma semaphore(%arg9 : memref<!tpu.dma_semaphore, #tpu.memory_space<semaphore_mem>>) src(%arg7 : memref<100x16xf32, #tpu.memory_space<vmem>>) dst(%dma_wait3A_47 : memref<10000x16xf32, #tpu.memory_space<vmem_shared>>)
    %dma_wait3A_48 = arith.constant 0 : i32
    %dma_wait3A_49 = arith.constant 0 : i32
    %dma_wait3A_50 = tpu.memref_slice %arg6[%dma_wait3A_48, %dma_wait3A_49] : memref<100x100xi32, #tpu.memory_space<vmem>> -> memref<1x100xi32, #tpu.memory_space<vmem>>
    %dma_wait3A_51 = tpu.memref_squeeze %dma_wait3A_50 : memref<1x100xi32, #tpu.memory_space<vmem>> -> memref<100xi32, #tpu.memory_space<vmem>>
    %dma_wait3A_52 = arith.constant 0 : i32
    %dma_wait3A_53 = arith.constant 0 : i32
    %dma_wait3A_54 = tpu.memref_slice %arg8[%dma_wait3A_52, %dma_wait3A_53] : memref<10000x16xf32, #tpu.memory_space<vmem_shared>> -> memref<10000x16xf32, #tpu.memory_space<vmem_shared>>
    tpu.wait_indirect_dma semaphore(%arg9 : memref<!tpu.dma_semaphore, #tpu.memory_space<semaphore_mem>>) src(%arg7 : memref<100x16xf32, #tpu.memory_space<vmem>>) dst(%dma_wait3A_54 : memref<10000x16xf32, #tpu.memory_space<vmem_shared>>)
    %dma_wait3A_55 = arith.constant 0 : i32
    %dma_wait3A_56 = arith.constant 0 : i32
    %dma_wait3A_57 = tpu.memref_slice %arg6[%dma_wait3A_55, %dma_wait3A_56] : memref<100x100xi32, #tpu.memory_space<vmem>> -> memref<1x100xi32, #tpu.memory_space<vmem>>
    %dma_wait3A_58 = tpu.memref_squeeze %dma_wait3A_57 : memref<1x100xi32, #tpu.memory_space<vmem>> -> memref<100xi32, #tpu.memory_space<vmem>>
    %dma_wait3A_59 = arith.constant 0 : i32
    %dma_wait3A_60 = arith.constant 0 : i32
    %dma_wait3A_61 = tpu.memref_slice %arg8[%dma_wait3A_59, %dma_wait3A_60] : memref<10000x16xf32, #tpu.memory_space<vmem_shared>> -> memref<10000x16xf32, #tpu.memory_space<vmem_shared>>
    tpu.wait_indirect_dma semaphore(%arg9 : memref<!tpu.dma_semaphore, #tpu.memory_space<semaphore_mem>>) src(%arg7 : memref<100x16xf32, #tpu.memory_space<vmem>>) dst(%dma_wait3A_61 : memref<10000x16xf32, #tpu.memory_space<vmem_shared>>)
    %barrier3A_62 = arith.constant 0 : index
    tpu.barrier barrier_id(%barrier3A_62)
    "tpu.region"() ({
      %run_scoped3A = tpu.sem_alloc : memref<!tpu.dma_semaphore, #tpu.memory_space<semaphore_mem>>
      %dma_start3A = arith.constant 0 : i32
      %dma_start3A_63 = tpu.memref_slice %arg5[%arg0, %mul3A_2, %dma_start3A] : memref<2x10000x16xf32, #tpu.memory_space<hbm>> -> memref<1x625x16xf32, #tpu.memory_space<hbm>>
      %dma_start3A_64 = tpu.memref_squeeze %dma_start3A_63 : memref<1x625x16xf32, #tpu.memory_space<hbm>> -> memref<625x16xf32, #tpu.memory_space<hbm>>
      %dma_start3A_65 = arith.constant 0 : i32
      %dma_start3A_66 = tpu.memref_slice %arg8[%mul3A_2, %dma_start3A_65] : memref<10000x16xf32, #tpu.memory_space<vmem_shared>> -> memref<625x16xf32, #tpu.memory_space<vmem_shared>>
      tpu.enqueue_dma source(%dma_start3A_66 : memref<625x16xf32, #tpu.memory_space<vmem_shared>>) target(%dma_start3A_64 : memref<625x16xf32, #tpu.memory_space<hbm>>) target_semaphore(%run_scoped3A : memref<!tpu.dma_semaphore, #tpu.memory_space<semaphore_mem>>)
      %dma_wait3A_67 = arith.constant 0 : i32
      %dma_wait3A_68 = tpu.memref_slice %arg5[%arg0, %mul3A_2, %dma_wait3A_67] : memref<2x10000x16xf32, #tpu.memory_space<hbm>> -> memref<1x625x16xf32, #tpu.memory_space<hbm>>
      %dma_wait3A_69 = tpu.memref_squeeze %dma_wait3A_68 : memref<1x625x16xf32, #tpu.memory_space<hbm>> -> memref<625x16xf32, #tpu.memory_space<hbm>>
      %dma_wait3A_70 = arith.constant 0 : i32
      %dma_wait3A_71 = tpu.memref_slice %arg8[%mul3A_2, %dma_wait3A_70] : memref<10000x16xf32, #tpu.memory_space<vmem_shared>> -> memref<625x16xf32, #tpu.memory_space<vmem_shared>>
      tpu.wait_dma2 semaphore(%run_scoped3A : memref<!tpu.dma_semaphore, #tpu.memory_space<semaphore_mem>>) src(%dma_wait3A_71 : memref<625x16xf32, #tpu.memory_space<vmem_shared>>) dst(%dma_wait3A_69 : memref<625x16xf32, #tpu.memory_space<hbm>>)
      tpu.yield
    }) : () -> ()
    return
  }
}

#map = affine_map<(d0, d1) -> (0, 0)>
#map1 = affine_map<(d0, d1) -> (0, 0, 0)>
module attributes {stable_mosaic.version = 14 : i64} {
  func.func @body(%arg0: i32, %arg1: i32, %arg2: memref<10000x48xf32, #tpu.memory_space<hbm>>, %arg3: memref<32x80x125xi32, #tpu.memory_space<hbm>>, %arg4: memref<32x80x125xi32, #tpu.memory_space<hbm>>, %arg5: memref<10000x48xf32, #tpu.memory_space<hbm>>, %arg6: memref<2x10000x48xf32, #tpu.memory_space<hbm>>, %arg7: memref<80x125xi32, #tpu.memory_space<vmem>>, %arg8: memref<80x125xi32, #tpu.memory_space<vmem>>, %arg9: memref<125x48xf32, #tpu.memory_space<vmem>>, %arg10: memref<125x48xf32, #tpu.memory_space<vmem>>, %arg11: memref<10000x48xf32, #tpu.memory_space<vmem_shared>>, %arg12: memref<!tpu.dma_semaphore, #tpu.memory_space<semaphore_mem>>, %arg13: memref<!tpu.dma_semaphore, #tpu.memory_space<semaphore_mem>>, %arg14: memref<!tpu.dma_semaphore, #tpu.memory_space<semaphore_mem>>, %arg15: memref<!tpu.dma_semaphore, #tpu.memory_space<semaphore_mem>>) attributes {dimension_semantics = [#tpu.dimension_semantics<core_parallel>, #tpu.dimension_semantics<subcore_parallel>], iteration_bounds = array<i64: 2, 16>, scalar_prefetch = 0 : i64, scratch_operands = 9 : i64, tpu.core_type = #tpu.core_type<sc_vector_subcore>, window_params = [{transform_indices = #map}, {transform_indices = #map1}, {transform_indices = #map1}, {transform_indices = #map}, {transform_indices = #map1}]} {
    %mul3A = arith.constant 2 : i32
    %mul3A_0 = arith.muli %arg1, %mul3A : i32
    %add3A = arith.addi %mul3A_0, %arg0 : i32
    %mul3A_1 = arith.constant 625 : i32
    %mul3A_2 = arith.muli %arg1, %mul3A_1 : i32
    "tpu.region"() ({
      %run_scoped3A = tpu.sem_alloc : memref<!tpu.dma_semaphore, #tpu.memory_space<semaphore_mem>>
      %dma_start3A_20 = arith.constant 0 : i32
      %dma_start3A_21 = arith.constant 0 : i32
      %dma_start3A_22 = tpu.memref_slice %arg3[%add3A, %dma_start3A_20, %dma_start3A_21] : memref<32x80x125xi32, #tpu.memory_space<hbm>> -> memref<1x80x125xi32, #tpu.memory_space<hbm>>
      %dma_start3A_23 = tpu.memref_squeeze %dma_start3A_22 : memref<1x80x125xi32, #tpu.memory_space<hbm>> -> memref<80x125xi32, #tpu.memory_space<hbm>>
      %dma_start3A_24 = arith.constant 0 : i32
      %dma_start3A_25 = arith.constant 0 : i32
      %dma_start3A_26 = tpu.memref_slice %arg3[%add3A, %dma_start3A_24, %dma_start3A_25] : memref<32x80x125xi32, #tpu.memory_space<hbm>> -> memref<1x80x125xi32, #tpu.memory_space<hbm>>
      %dma_start3A_27 = tpu.memref_squeeze %dma_start3A_26 : memref<1x80x125xi32, #tpu.memory_space<hbm>> -> memref<80x125xi32, #tpu.memory_space<hbm>>
      tpu.enqueue_dma source(%dma_start3A_27 : memref<80x125xi32, #tpu.memory_space<hbm>>) target(%arg7 : memref<80x125xi32, #tpu.memory_space<vmem>>) target_semaphore(%run_scoped3A : memref<!tpu.dma_semaphore, #tpu.memory_space<semaphore_mem>>)
      %dma_wait3A_28 = arith.constant 0 : i32
      %dma_wait3A_29 = arith.constant 0 : i32
      %dma_wait3A_30 = tpu.memref_slice %arg3[%add3A, %dma_wait3A_28, %dma_wait3A_29] : memref<32x80x125xi32, #tpu.memory_space<hbm>> -> memref<1x80x125xi32, #tpu.memory_space<hbm>>
      %dma_wait3A_31 = tpu.memref_squeeze %dma_wait3A_30 : memref<1x80x125xi32, #tpu.memory_space<hbm>> -> memref<80x125xi32, #tpu.memory_space<hbm>>
      %dma_wait3A_32 = arith.constant 0 : i32
      %dma_wait3A_33 = arith.constant 0 : i32
      %dma_wait3A_34 = tpu.memref_slice %arg3[%add3A, %dma_wait3A_32, %dma_wait3A_33] : memref<32x80x125xi32, #tpu.memory_space<hbm>> -> memref<1x80x125xi32, #tpu.memory_space<hbm>>
      %dma_wait3A_35 = tpu.memref_squeeze %dma_wait3A_34 : memref<1x80x125xi32, #tpu.memory_space<hbm>> -> memref<80x125xi32, #tpu.memory_space<hbm>>
      tpu.wait_dma2 semaphore(%run_scoped3A : memref<!tpu.dma_semaphore, #tpu.memory_space<semaphore_mem>>) src(%dma_wait3A_35 : memref<80x125xi32, #tpu.memory_space<hbm>>) dst(%arg7 : memref<80x125xi32, #tpu.memory_space<vmem>>)
      tpu.yield
    }) : () -> ()
    "tpu.region"() ({
      %run_scoped3A = tpu.sem_alloc : memref<!tpu.dma_semaphore, #tpu.memory_space<semaphore_mem>>
      %dma_start3A_20 = arith.constant 0 : i32
      %dma_start3A_21 = arith.constant 0 : i32
      %dma_start3A_22 = tpu.memref_slice %arg4[%add3A, %dma_start3A_20, %dma_start3A_21] : memref<32x80x125xi32, #tpu.memory_space<hbm>> -> memref<1x80x125xi32, #tpu.memory_space<hbm>>
      %dma_start3A_23 = tpu.memref_squeeze %dma_start3A_22 : memref<1x80x125xi32, #tpu.memory_space<hbm>> -> memref<80x125xi32, #tpu.memory_space<hbm>>
      %dma_start3A_24 = arith.constant 0 : i32
      %dma_start3A_25 = arith.constant 0 : i32
      %dma_start3A_26 = tpu.memref_slice %arg4[%add3A, %dma_start3A_24, %dma_start3A_25] : memref<32x80x125xi32, #tpu.memory_space<hbm>> -> memref<1x80x125xi32, #tpu.memory_space<hbm>>
      %dma_start3A_27 = tpu.memref_squeeze %dma_start3A_26 : memref<1x80x125xi32, #tpu.memory_space<hbm>> -> memref<80x125xi32, #tpu.memory_space<hbm>>
      tpu.enqueue_dma source(%dma_start3A_27 : memref<80x125xi32, #tpu.memory_space<hbm>>) target(%arg8 : memref<80x125xi32, #tpu.memory_space<vmem>>) target_semaphore(%run_scoped3A : memref<!tpu.dma_semaphore, #tpu.memory_space<semaphore_mem>>)
      %dma_wait3A_28 = arith.constant 0 : i32
      %dma_wait3A_29 = arith.constant 0 : i32
      %dma_wait3A_30 = tpu.memref_slice %arg4[%add3A, %dma_wait3A_28, %dma_wait3A_29] : memref<32x80x125xi32, #tpu.memory_space<hbm>> -> memref<1x80x125xi32, #tpu.memory_space<hbm>>
      %dma_wait3A_31 = tpu.memref_squeeze %dma_wait3A_30 : memref<1x80x125xi32, #tpu.memory_space<hbm>> -> memref<80x125xi32, #tpu.memory_space<hbm>>
      %dma_wait3A_32 = arith.constant 0 : i32
      %dma_wait3A_33 = arith.constant 0 : i32
      %dma_wait3A_34 = tpu.memref_slice %arg4[%add3A, %dma_wait3A_32, %dma_wait3A_33] : memref<32x80x125xi32, #tpu.memory_space<hbm>> -> memref<1x80x125xi32, #tpu.memory_space<hbm>>
      %dma_wait3A_35 = tpu.memref_squeeze %dma_wait3A_34 : memref<1x80x125xi32, #tpu.memory_space<hbm>> -> memref<80x125xi32, #tpu.memory_space<hbm>>
      tpu.wait_dma2 semaphore(%run_scoped3A : memref<!tpu.dma_semaphore, #tpu.memory_space<semaphore_mem>>) src(%dma_wait3A_35 : memref<80x125xi32, #tpu.memory_space<hbm>>) dst(%arg8 : memref<80x125xi32, #tpu.memory_space<vmem>>)
      tpu.yield
    }) : () -> ()
    "tpu.region"() ({
      %run_scoped3A = tpu.sem_alloc : memref<!tpu.dma_semaphore, #tpu.memory_space<semaphore_mem>>
      %dma_start3A_20 = arith.constant 0 : i32
      %dma_start3A_21 = tpu.memref_slice %arg11[%mul3A_2, %dma_start3A_20] : memref<10000x48xf32, #tpu.memory_space<vmem_shared>> -> memref<625x48xf32, #tpu.memory_space<vmem_shared>>
      %dma_start3A_22 = arith.constant 0 : i32
      %dma_start3A_23 = tpu.memref_slice %arg5[%mul3A_2, %dma_start3A_22] : memref<10000x48xf32, #tpu.memory_space<hbm>> -> memref<625x48xf32, #tpu.memory_space<hbm>>
      tpu.enqueue_dma source(%dma_start3A_23 : memref<625x48xf32, #tpu.memory_space<hbm>>) target(%dma_start3A_21 : memref<625x48xf32, #tpu.memory_space<vmem_shared>>) target_semaphore(%run_scoped3A : memref<!tpu.dma_semaphore, #tpu.memory_space<semaphore_mem>>)
      %dma_wait3A_24 = arith.constant 0 : i32
      %dma_wait3A_25 = tpu.memref_slice %arg11[%mul3A_2, %dma_wait3A_24] : memref<10000x48xf32, #tpu.memory_space<vmem_shared>> -> memref<625x48xf32, #tpu.memory_space<vmem_shared>>
      %dma_wait3A_26 = arith.constant 0 : i32
      %dma_wait3A_27 = tpu.memref_slice %arg5[%mul3A_2, %dma_wait3A_26] : memref<10000x48xf32, #tpu.memory_space<hbm>> -> memref<625x48xf32, #tpu.memory_space<hbm>>
      tpu.wait_dma2 semaphore(%run_scoped3A : memref<!tpu.dma_semaphore, #tpu.memory_space<semaphore_mem>>) src(%dma_wait3A_27 : memref<625x48xf32, #tpu.memory_space<hbm>>) dst(%dma_wait3A_25 : memref<625x48xf32, #tpu.memory_space<vmem_shared>>)
      tpu.yield
    }) : () -> ()
    %barrier3A = arith.constant 0 : index
    tpu.barrier barrier_id(%barrier3A)
    %dma_start3A = arith.constant 0 : i32
    %dma_start3A_3 = arith.constant 0 : i32
    %dma_start3A_4 = tpu.memref_slice %arg7[%dma_start3A, %dma_start3A_3] : memref<80x125xi32, #tpu.memory_space<vmem>> -> memref<1x125xi32, #tpu.memory_space<vmem>>
    %dma_start3A_5 = tpu.memref_squeeze %dma_start3A_4 : memref<1x125xi32, #tpu.memory_space<vmem>> -> memref<125xi32, #tpu.memory_space<vmem>>
    %dma_start3A_6 = arith.constant 0 : i32
    %dma_start3A_7 = arith.constant 0 : i32
    %dma_start3A_8 = tpu.memref_slice %arg2[%dma_start3A_6, %dma_start3A_7] : memref<10000x48xf32, #tpu.memory_space<hbm>> -> memref<10000x48xf32, #tpu.memory_space<hbm>>
    tpu.enqueue_indirect_dma source(%dma_start3A_8 : memref<10000x48xf32, #tpu.memory_space<hbm>>) target(%arg9 : memref<125x48xf32, #tpu.memory_space<vmem>>) offsets(%dma_start3A_5 : memref<125xi32, #tpu.memory_space<vmem>>) semaphore(%arg12 : memref<!tpu.dma_semaphore, #tpu.memory_space<semaphore_mem>>)
    %scan3A = arith.constant 0 : i32
    %scan3A_9 = arith.constant 40 : i32
    %scan3A_10 = arith.addi %scan3A, %scan3A_9 : i32
    %scan3A_11 = arith.constant 1 : i32
    scf.for %scan3A_20 = %scan3A to %scan3A_10 step %scan3A_11  : i32 {
      %mul3A_21 = arith.constant 1 : i32
      %mul3A_22 = arith.muli %scan3A_20, %mul3A_21 : i32
      %add3A_23 = arith.constant 0 : i32
      %add3A_24 = arith.addi %add3A_23, %mul3A_22 : i32
      %mul3A_25 = arith.constant 2 : i32
      %mul3A_26 = arith.muli %mul3A_25, %add3A_24 : i32
      %add3A_27 = arith.constant 1 : i32
      %add3A_28 = arith.addi %mul3A_26, %add3A_27 : i32
      %dma_wait3A_29 = arith.constant 0 : i32
      %dma_wait3A_30 = tpu.memref_slice %arg7[%mul3A_26, %dma_wait3A_29] : memref<80x125xi32, #tpu.memory_space<vmem>> -> memref<1x125xi32, #tpu.memory_space<vmem>>
      %dma_wait3A_31 = tpu.memref_squeeze %dma_wait3A_30 : memref<1x125xi32, #tpu.memory_space<vmem>> -> memref<125xi32, #tpu.memory_space<vmem>>
      %dma_wait3A_32 = arith.constant 0 : i32
      %dma_wait3A_33 = arith.constant 0 : i32
      %dma_wait3A_34 = tpu.memref_slice %arg2[%dma_wait3A_32, %dma_wait3A_33] : memref<10000x48xf32, #tpu.memory_space<hbm>> -> memref<10000x48xf32, #tpu.memory_space<hbm>>
      tpu.wait_indirect_dma semaphore(%arg12 : memref<!tpu.dma_semaphore, #tpu.memory_space<semaphore_mem>>) src(%dma_wait3A_34 : memref<10000x48xf32, #tpu.memory_space<hbm>>) dst(%arg9 : memref<125x48xf32, #tpu.memory_space<vmem>>)
      %gt3A = arith.constant 0 : i32
      %gt3A_35 = arith.cmpi sgt, %add3A_24, %gt3A : i32
      %convert_element_type3A = arith.extui %gt3A_35 : i1 to i32
      %cond3A = arith.constant 0 : i32
      %cond3A_36 = arith.cmpi ne, %convert_element_type3A, %cond3A : i32
      scf.if %cond3A_36 {
        %sub3A = arith.constant 1 : i32
        %sub3A_71 = arith.subi %mul3A_26, %sub3A : i32
        %dma_wait3A_72 = arith.constant 0 : i32
        %dma_wait3A_73 = tpu.memref_slice %arg8[%sub3A_71, %dma_wait3A_72] : memref<80x125xi32, #tpu.memory_space<vmem>> -> memref<1x125xi32, #tpu.memory_space<vmem>>
        %dma_wait3A_74 = tpu.memref_squeeze %dma_wait3A_73 : memref<1x125xi32, #tpu.memory_space<vmem>> -> memref<125xi32, #tpu.memory_space<vmem>>
        %dma_wait3A_75 = arith.constant 0 : i32
        %dma_wait3A_76 = arith.constant 0 : i32
        %dma_wait3A_77 = tpu.memref_slice %arg11[%dma_wait3A_75, %dma_wait3A_76] : memref<10000x48xf32, #tpu.memory_space<vmem_shared>> -> memref<10000x48xf32, #tpu.memory_space<vmem_shared>>
        tpu.wait_indirect_dma semaphore(%arg15 : memref<!tpu.dma_semaphore, #tpu.memory_space<semaphore_mem>>) src(%arg10 : memref<125x48xf32, #tpu.memory_space<vmem>>) dst(%dma_wait3A_77 : memref<10000x48xf32, #tpu.memory_space<vmem_shared>>)
      } else {
      }
      %dma_start3A_37 = arith.constant 0 : i32
      %dma_start3A_38 = tpu.memref_slice %arg7[%add3A_28, %dma_start3A_37] : memref<80x125xi32, #tpu.memory_space<vmem>> -> memref<1x125xi32, #tpu.memory_space<vmem>>
      %dma_start3A_39 = tpu.memref_squeeze %dma_start3A_38 : memref<1x125xi32, #tpu.memory_space<vmem>> -> memref<125xi32, #tpu.memory_space<vmem>>
      %dma_start3A_40 = arith.constant 0 : i32
      %dma_start3A_41 = arith.constant 0 : i32
      %dma_start3A_42 = tpu.memref_slice %arg2[%dma_start3A_40, %dma_start3A_41] : memref<10000x48xf32, #tpu.memory_space<hbm>> -> memref<10000x48xf32, #tpu.memory_space<hbm>>
      tpu.enqueue_indirect_dma source(%dma_start3A_42 : memref<10000x48xf32, #tpu.memory_space<hbm>>) target(%arg10 : memref<125x48xf32, #tpu.memory_space<vmem>>) offsets(%dma_start3A_39 : memref<125xi32, #tpu.memory_space<vmem>>) semaphore(%arg13 : memref<!tpu.dma_semaphore, #tpu.memory_space<semaphore_mem>>)
      %dma_start3A_43 = arith.constant 0 : i32
      %dma_start3A_44 = tpu.memref_slice %arg8[%mul3A_26, %dma_start3A_43] : memref<80x125xi32, #tpu.memory_space<vmem>> -> memref<1x125xi32, #tpu.memory_space<vmem>>
      %dma_start3A_45 = tpu.memref_squeeze %dma_start3A_44 : memref<1x125xi32, #tpu.memory_space<vmem>> -> memref<125xi32, #tpu.memory_space<vmem>>
      %dma_start3A_46 = arith.constant 0 : i32
      %dma_start3A_47 = arith.constant 0 : i32
      %dma_start3A_48 = tpu.memref_slice %arg11[%dma_start3A_46, %dma_start3A_47] : memref<10000x48xf32, #tpu.memory_space<vmem_shared>> -> memref<10000x48xf32, #tpu.memory_space<vmem_shared>>
      tpu.enqueue_indirect_dma source(%arg9 : memref<125x48xf32, #tpu.memory_space<vmem>>) target(%dma_start3A_48 : memref<10000x48xf32, #tpu.memory_space<vmem_shared>>) offsets(%dma_start3A_45 : memref<125xi32, #tpu.memory_space<vmem>>) semaphore(%arg14 : memref<!tpu.dma_semaphore, #tpu.memory_space<semaphore_mem>>) {add = true}
      %dma_wait3A_49 = arith.constant 0 : i32
      %dma_wait3A_50 = tpu.memref_slice %arg7[%add3A_28, %dma_wait3A_49] : memref<80x125xi32, #tpu.memory_space<vmem>> -> memref<1x125xi32, #tpu.memory_space<vmem>>
      %dma_wait3A_51 = tpu.memref_squeeze %dma_wait3A_50 : memref<1x125xi32, #tpu.memory_space<vmem>> -> memref<125xi32, #tpu.memory_space<vmem>>
      %dma_wait3A_52 = arith.constant 0 : i32
      %dma_wait3A_53 = arith.constant 0 : i32
      %dma_wait3A_54 = tpu.memref_slice %arg2[%dma_wait3A_52, %dma_wait3A_53] : memref<10000x48xf32, #tpu.memory_space<hbm>> -> memref<10000x48xf32, #tpu.memory_space<hbm>>
      tpu.wait_indirect_dma semaphore(%arg13 : memref<!tpu.dma_semaphore, #tpu.memory_space<semaphore_mem>>) src(%dma_wait3A_54 : memref<10000x48xf32, #tpu.memory_space<hbm>>) dst(%arg10 : memref<125x48xf32, #tpu.memory_space<vmem>>)
      %dma_wait3A_55 = arith.constant 0 : i32
      %dma_wait3A_56 = tpu.memref_slice %arg8[%mul3A_26, %dma_wait3A_55] : memref<80x125xi32, #tpu.memory_space<vmem>> -> memref<1x125xi32, #tpu.memory_space<vmem>>
      %dma_wait3A_57 = tpu.memref_squeeze %dma_wait3A_56 : memref<1x125xi32, #tpu.memory_space<vmem>> -> memref<125xi32, #tpu.memory_space<vmem>>
      %dma_wait3A_58 = arith.constant 0 : i32
      %dma_wait3A_59 = arith.constant 0 : i32
      %dma_wait3A_60 = tpu.memref_slice %arg11[%dma_wait3A_58, %dma_wait3A_59] : memref<10000x48xf32, #tpu.memory_space<vmem_shared>> -> memref<10000x48xf32, #tpu.memory_space<vmem_shared>>
      tpu.wait_indirect_dma semaphore(%arg14 : memref<!tpu.dma_semaphore, #tpu.memory_space<semaphore_mem>>) src(%arg9 : memref<125x48xf32, #tpu.memory_space<vmem>>) dst(%dma_wait3A_60 : memref<10000x48xf32, #tpu.memory_space<vmem_shared>>)
      %dma_start3A_61 = arith.constant 0 : i32
      %dma_start3A_62 = tpu.memref_slice %arg8[%add3A_28, %dma_start3A_61] : memref<80x125xi32, #tpu.memory_space<vmem>> -> memref<1x125xi32, #tpu.memory_space<vmem>>
      %dma_start3A_63 = tpu.memref_squeeze %dma_start3A_62 : memref<1x125xi32, #tpu.memory_space<vmem>> -> memref<125xi32, #tpu.memory_space<vmem>>
      %dma_start3A_64 = arith.constant 0 : i32
      %dma_start3A_65 = arith.constant 0 : i32
      %dma_start3A_66 = tpu.memref_slice %arg11[%dma_start3A_64, %dma_start3A_65] : memref<10000x48xf32, #tpu.memory_space<vmem_shared>> -> memref<10000x48xf32, #tpu.memory_space<vmem_shared>>
      tpu.enqueue_indirect_dma source(%arg10 : memref<125x48xf32, #tpu.memory_space<vmem>>) target(%dma_start3A_66 : memref<10000x48xf32, #tpu.memory_space<vmem_shared>>) offsets(%dma_start3A_63 : memref<125xi32, #tpu.memory_space<vmem>>) semaphore(%arg15 : memref<!tpu.dma_semaphore, #tpu.memory_space<semaphore_mem>>) {add = true}
      %lt3A = arith.constant 39 : i32
      %lt3A_67 = arith.cmpi slt, %add3A_24, %lt3A : i32
      %convert_element_type3A_68 = arith.extui %lt3A_67 : i1 to i32
      %cond3A_69 = arith.constant 0 : i32
      %cond3A_70 = arith.cmpi ne, %convert_element_type3A_68, %cond3A_69 : i32
      scf.if %cond3A_70 {
        %add3A_71 = arith.constant 2 : i32
        %add3A_72 = arith.addi %mul3A_26, %add3A_71 : i32
        %dma_start3A_73 = arith.constant 0 : i32
        %dma_start3A_74 = tpu.memref_slice %arg7[%add3A_72, %dma_start3A_73] : memref<80x125xi32, #tpu.memory_space<vmem>> -> memref<1x125xi32, #tpu.memory_space<vmem>>
        %dma_start3A_75 = tpu.memref_squeeze %dma_start3A_74 : memref<1x125xi32, #tpu.memory_space<vmem>> -> memref<125xi32, #tpu.memory_space<vmem>>
        %dma_start3A_76 = arith.constant 0 : i32
        %dma_start3A_77 = arith.constant 0 : i32
        %dma_start3A_78 = tpu.memref_slice %arg2[%dma_start3A_76, %dma_start3A_77] : memref<10000x48xf32, #tpu.memory_space<hbm>> -> memref<10000x48xf32, #tpu.memory_space<hbm>>
        tpu.enqueue_indirect_dma source(%dma_start3A_78 : memref<10000x48xf32, #tpu.memory_space<hbm>>) target(%arg9 : memref<125x48xf32, #tpu.memory_space<vmem>>) offsets(%dma_start3A_75 : memref<125xi32, #tpu.memory_space<vmem>>) semaphore(%arg12 : memref<!tpu.dma_semaphore, #tpu.memory_space<semaphore_mem>>)
      } else {
      }
    }
    %scan3A_12 = arith.constant 40 : i32
    %dma_wait3A = arith.constant 79 : i32
    %dma_wait3A_13 = arith.constant 0 : i32
    %dma_wait3A_14 = tpu.memref_slice %arg8[%dma_wait3A, %dma_wait3A_13] : memref<80x125xi32, #tpu.memory_space<vmem>> -> memref<1x125xi32, #tpu.memory_space<vmem>>
    %dma_wait3A_15 = tpu.memref_squeeze %dma_wait3A_14 : memref<1x125xi32, #tpu.memory_space<vmem>> -> memref<125xi32, #tpu.memory_space<vmem>>
    %dma_wait3A_16 = arith.constant 0 : i32
    %dma_wait3A_17 = arith.constant 0 : i32
    %dma_wait3A_18 = tpu.memref_slice %arg11[%dma_wait3A_16, %dma_wait3A_17] : memref<10000x48xf32, #tpu.memory_space<vmem_shared>> -> memref<10000x48xf32, #tpu.memory_space<vmem_shared>>
    tpu.wait_indirect_dma semaphore(%arg15 : memref<!tpu.dma_semaphore, #tpu.memory_space<semaphore_mem>>) src(%arg10 : memref<125x48xf32, #tpu.memory_space<vmem>>) dst(%dma_wait3A_18 : memref<10000x48xf32, #tpu.memory_space<vmem_shared>>)
    %barrier3A_19 = arith.constant 0 : index
    tpu.barrier barrier_id(%barrier3A_19)
    "tpu.region"() ({
      %run_scoped3A = tpu.sem_alloc : memref<!tpu.dma_semaphore, #tpu.memory_space<semaphore_mem>>
      %dma_start3A_20 = arith.constant 0 : i32
      %dma_start3A_21 = tpu.memref_slice %arg6[%arg0, %mul3A_2, %dma_start3A_20] : memref<2x10000x48xf32, #tpu.memory_space<hbm>> -> memref<1x625x48xf32, #tpu.memory_space<hbm>>
      %dma_start3A_22 = tpu.memref_squeeze %dma_start3A_21 : memref<1x625x48xf32, #tpu.memory_space<hbm>> -> memref<625x48xf32, #tpu.memory_space<hbm>>
      %dma_start3A_23 = arith.constant 0 : i32
      %dma_start3A_24 = tpu.memref_slice %arg11[%mul3A_2, %dma_start3A_23] : memref<10000x48xf32, #tpu.memory_space<vmem_shared>> -> memref<625x48xf32, #tpu.memory_space<vmem_shared>>
      tpu.enqueue_dma source(%dma_start3A_24 : memref<625x48xf32, #tpu.memory_space<vmem_shared>>) target(%dma_start3A_22 : memref<625x48xf32, #tpu.memory_space<hbm>>) target_semaphore(%run_scoped3A : memref<!tpu.dma_semaphore, #tpu.memory_space<semaphore_mem>>)
      %dma_wait3A_25 = arith.constant 0 : i32
      %dma_wait3A_26 = tpu.memref_slice %arg6[%arg0, %mul3A_2, %dma_wait3A_25] : memref<2x10000x48xf32, #tpu.memory_space<hbm>> -> memref<1x625x48xf32, #tpu.memory_space<hbm>>
      %dma_wait3A_27 = tpu.memref_squeeze %dma_wait3A_26 : memref<1x625x48xf32, #tpu.memory_space<hbm>> -> memref<625x48xf32, #tpu.memory_space<hbm>>
      %dma_wait3A_28 = arith.constant 0 : i32
      %dma_wait3A_29 = tpu.memref_slice %arg11[%mul3A_2, %dma_wait3A_28] : memref<10000x48xf32, #tpu.memory_space<vmem_shared>> -> memref<625x48xf32, #tpu.memory_space<vmem_shared>>
      tpu.wait_dma2 semaphore(%run_scoped3A : memref<!tpu.dma_semaphore, #tpu.memory_space<semaphore_mem>>) src(%dma_wait3A_29 : memref<625x48xf32, #tpu.memory_space<vmem_shared>>) dst(%dma_wait3A_27 : memref<625x48xf32, #tpu.memory_space<hbm>>)
      tpu.yield
    }) : () -> ()
    return
  }
}

#map = affine_map<(d0, d1) -> (0, 0)>
#map1 = affine_map<(d0, d1) -> (0, 0, 0)>
module attributes {stable_mosaic.version = 14 : i64} {
  func.func @body(%arg0: i32, %arg1: i32, %arg2: memref<10000x128xf32, #tpu.memory_space<hbm>>, %arg3: memref<32x100x100xi32, #tpu.memory_space<hbm>>, %arg4: memref<32x100x100xi32, #tpu.memory_space<hbm>>, %arg5: memref<10000x128xf32, #tpu.memory_space<hbm>>, %arg6: memref<2x10000x128xf32, #tpu.memory_space<hbm>>, %arg7: memref<100x100xi32, #tpu.memory_space<vmem>>, %arg8: memref<100x100xi32, #tpu.memory_space<vmem>>, %arg9: memref<100x128xf32, #tpu.memory_space<vmem>>, %arg10: memref<100x128xf32, #tpu.memory_space<vmem>>, %arg11: memref<10000x128xf32, #tpu.memory_space<vmem_shared>>, %arg12: memref<!tpu.dma_semaphore, #tpu.memory_space<semaphore_mem>>, %arg13: memref<!tpu.dma_semaphore, #tpu.memory_space<semaphore_mem>>, %arg14: memref<!tpu.dma_semaphore, #tpu.memory_space<semaphore_mem>>, %arg15: memref<!tpu.dma_semaphore, #tpu.memory_space<semaphore_mem>>) attributes {dimension_semantics = [#tpu.dimension_semantics<core_parallel>, #tpu.dimension_semantics<subcore_parallel>], iteration_bounds = array<i64: 2, 16>, scalar_prefetch = 0 : i64, scratch_operands = 9 : i64, tpu.core_type = #tpu.core_type<sc_vector_subcore>, window_params = [{transform_indices = #map}, {transform_indices = #map1}, {transform_indices = #map1}, {transform_indices = #map}, {transform_indices = #map1}]} {
    %mul3A = arith.constant 2 : i32
    %mul3A_0 = arith.muli %arg1, %mul3A : i32
    %add3A = arith.addi %mul3A_0, %arg0 : i32
    %mul3A_1 = arith.constant 625 : i32
    %mul3A_2 = arith.muli %arg1, %mul3A_1 : i32
    "tpu.region"() ({
      %run_scoped3A = tpu.sem_alloc : memref<!tpu.dma_semaphore, #tpu.memory_space<semaphore_mem>>
      %dma_start3A_20 = arith.constant 0 : i32
      %dma_start3A_21 = arith.constant 0 : i32
      %dma_start3A_22 = tpu.memref_slice %arg3[%add3A, %dma_start3A_20, %dma_start3A_21] : memref<32x100x100xi32, #tpu.memory_space<hbm>> -> memref<1x100x100xi32, #tpu.memory_space<hbm>>
      %dma_start3A_23 = tpu.memref_squeeze %dma_start3A_22 : memref<1x100x100xi32, #tpu.memory_space<hbm>> -> memref<100x100xi32, #tpu.memory_space<hbm>>
      %dma_start3A_24 = arith.constant 0 : i32
      %dma_start3A_25 = arith.constant 0 : i32
      %dma_start3A_26 = tpu.memref_slice %arg3[%add3A, %dma_start3A_24, %dma_start3A_25] : memref<32x100x100xi32, #tpu.memory_space<hbm>> -> memref<1x100x100xi32, #tpu.memory_space<hbm>>
      %dma_start3A_27 = tpu.memref_squeeze %dma_start3A_26 : memref<1x100x100xi32, #tpu.memory_space<hbm>> -> memref<100x100xi32, #tpu.memory_space<hbm>>
      tpu.enqueue_dma source(%dma_start3A_27 : memref<100x100xi32, #tpu.memory_space<hbm>>) target(%arg7 : memref<100x100xi32, #tpu.memory_space<vmem>>) target_semaphore(%run_scoped3A : memref<!tpu.dma_semaphore, #tpu.memory_space<semaphore_mem>>)
      %dma_wait3A_28 = arith.constant 0 : i32
      %dma_wait3A_29 = arith.constant 0 : i32
      %dma_wait3A_30 = tpu.memref_slice %arg3[%add3A, %dma_wait3A_28, %dma_wait3A_29] : memref<32x100x100xi32, #tpu.memory_space<hbm>> -> memref<1x100x100xi32, #tpu.memory_space<hbm>>
      %dma_wait3A_31 = tpu.memref_squeeze %dma_wait3A_30 : memref<1x100x100xi32, #tpu.memory_space<hbm>> -> memref<100x100xi32, #tpu.memory_space<hbm>>
      %dma_wait3A_32 = arith.constant 0 : i32
      %dma_wait3A_33 = arith.constant 0 : i32
      %dma_wait3A_34 = tpu.memref_slice %arg3[%add3A, %dma_wait3A_32, %dma_wait3A_33] : memref<32x100x100xi32, #tpu.memory_space<hbm>> -> memref<1x100x100xi32, #tpu.memory_space<hbm>>
      %dma_wait3A_35 = tpu.memref_squeeze %dma_wait3A_34 : memref<1x100x100xi32, #tpu.memory_space<hbm>> -> memref<100x100xi32, #tpu.memory_space<hbm>>
      tpu.wait_dma2 semaphore(%run_scoped3A : memref<!tpu.dma_semaphore, #tpu.memory_space<semaphore_mem>>) src(%dma_wait3A_35 : memref<100x100xi32, #tpu.memory_space<hbm>>) dst(%arg7 : memref<100x100xi32, #tpu.memory_space<vmem>>)
      tpu.yield
    }) : () -> ()
    "tpu.region"() ({
      %run_scoped3A = tpu.sem_alloc : memref<!tpu.dma_semaphore, #tpu.memory_space<semaphore_mem>>
      %dma_start3A_20 = arith.constant 0 : i32
      %dma_start3A_21 = arith.constant 0 : i32
      %dma_start3A_22 = tpu.memref_slice %arg4[%add3A, %dma_start3A_20, %dma_start3A_21] : memref<32x100x100xi32, #tpu.memory_space<hbm>> -> memref<1x100x100xi32, #tpu.memory_space<hbm>>
      %dma_start3A_23 = tpu.memref_squeeze %dma_start3A_22 : memref<1x100x100xi32, #tpu.memory_space<hbm>> -> memref<100x100xi32, #tpu.memory_space<hbm>>
      %dma_start3A_24 = arith.constant 0 : i32
      %dma_start3A_25 = arith.constant 0 : i32
      %dma_start3A_26 = tpu.memref_slice %arg4[%add3A, %dma_start3A_24, %dma_start3A_25] : memref<32x100x100xi32, #tpu.memory_space<hbm>> -> memref<1x100x100xi32, #tpu.memory_space<hbm>>
      %dma_start3A_27 = tpu.memref_squeeze %dma_start3A_26 : memref<1x100x100xi32, #tpu.memory_space<hbm>> -> memref<100x100xi32, #tpu.memory_space<hbm>>
      tpu.enqueue_dma source(%dma_start3A_27 : memref<100x100xi32, #tpu.memory_space<hbm>>) target(%arg8 : memref<100x100xi32, #tpu.memory_space<vmem>>) target_semaphore(%run_scoped3A : memref<!tpu.dma_semaphore, #tpu.memory_space<semaphore_mem>>)
      %dma_wait3A_28 = arith.constant 0 : i32
      %dma_wait3A_29 = arith.constant 0 : i32
      %dma_wait3A_30 = tpu.memref_slice %arg4[%add3A, %dma_wait3A_28, %dma_wait3A_29] : memref<32x100x100xi32, #tpu.memory_space<hbm>> -> memref<1x100x100xi32, #tpu.memory_space<hbm>>
      %dma_wait3A_31 = tpu.memref_squeeze %dma_wait3A_30 : memref<1x100x100xi32, #tpu.memory_space<hbm>> -> memref<100x100xi32, #tpu.memory_space<hbm>>
      %dma_wait3A_32 = arith.constant 0 : i32
      %dma_wait3A_33 = arith.constant 0 : i32
      %dma_wait3A_34 = tpu.memref_slice %arg4[%add3A, %dma_wait3A_32, %dma_wait3A_33] : memref<32x100x100xi32, #tpu.memory_space<hbm>> -> memref<1x100x100xi32, #tpu.memory_space<hbm>>
      %dma_wait3A_35 = tpu.memref_squeeze %dma_wait3A_34 : memref<1x100x100xi32, #tpu.memory_space<hbm>> -> memref<100x100xi32, #tpu.memory_space<hbm>>
      tpu.wait_dma2 semaphore(%run_scoped3A : memref<!tpu.dma_semaphore, #tpu.memory_space<semaphore_mem>>) src(%dma_wait3A_35 : memref<100x100xi32, #tpu.memory_space<hbm>>) dst(%arg8 : memref<100x100xi32, #tpu.memory_space<vmem>>)
      tpu.yield
    }) : () -> ()
    "tpu.region"() ({
      %run_scoped3A = tpu.sem_alloc : memref<!tpu.dma_semaphore, #tpu.memory_space<semaphore_mem>>
      %dma_start3A_20 = arith.constant 0 : i32
      %dma_start3A_21 = tpu.memref_slice %arg11[%mul3A_2, %dma_start3A_20] : memref<10000x128xf32, #tpu.memory_space<vmem_shared>> -> memref<625x128xf32, #tpu.memory_space<vmem_shared>>
      %dma_start3A_22 = arith.constant 0 : i32
      %dma_start3A_23 = tpu.memref_slice %arg5[%mul3A_2, %dma_start3A_22] : memref<10000x128xf32, #tpu.memory_space<hbm>> -> memref<625x128xf32, #tpu.memory_space<hbm>>
      tpu.enqueue_dma source(%dma_start3A_23 : memref<625x128xf32, #tpu.memory_space<hbm>>) target(%dma_start3A_21 : memref<625x128xf32, #tpu.memory_space<vmem_shared>>) target_semaphore(%run_scoped3A : memref<!tpu.dma_semaphore, #tpu.memory_space<semaphore_mem>>)
      %dma_wait3A_24 = arith.constant 0 : i32
      %dma_wait3A_25 = tpu.memref_slice %arg11[%mul3A_2, %dma_wait3A_24] : memref<10000x128xf32, #tpu.memory_space<vmem_shared>> -> memref<625x128xf32, #tpu.memory_space<vmem_shared>>
      %dma_wait3A_26 = arith.constant 0 : i32
      %dma_wait3A_27 = tpu.memref_slice %arg5[%mul3A_2, %dma_wait3A_26] : memref<10000x128xf32, #tpu.memory_space<hbm>> -> memref<625x128xf32, #tpu.memory_space<hbm>>
      tpu.wait_dma2 semaphore(%run_scoped3A : memref<!tpu.dma_semaphore, #tpu.memory_space<semaphore_mem>>) src(%dma_wait3A_27 : memref<625x128xf32, #tpu.memory_space<hbm>>) dst(%dma_wait3A_25 : memref<625x128xf32, #tpu.memory_space<vmem_shared>>)
      tpu.yield
    }) : () -> ()
    %barrier3A = arith.constant 0 : index
    tpu.barrier barrier_id(%barrier3A)
    %dma_start3A = arith.constant 0 : i32
    %dma_start3A_3 = arith.constant 0 : i32
    %dma_start3A_4 = tpu.memref_slice %arg7[%dma_start3A, %dma_start3A_3] : memref<100x100xi32, #tpu.memory_space<vmem>> -> memref<1x100xi32, #tpu.memory_space<vmem>>
    %dma_start3A_5 = tpu.memref_squeeze %dma_start3A_4 : memref<1x100xi32, #tpu.memory_space<vmem>> -> memref<100xi32, #tpu.memory_space<vmem>>
    %dma_start3A_6 = arith.constant 0 : i32
    %dma_start3A_7 = arith.constant 0 : i32
    %dma_start3A_8 = tpu.memref_slice %arg2[%dma_start3A_6, %dma_start3A_7] : memref<10000x128xf32, #tpu.memory_space<hbm>> -> memref<10000x128xf32, #tpu.memory_space<hbm>>
    tpu.enqueue_indirect_dma source(%dma_start3A_8 : memref<10000x128xf32, #tpu.memory_space<hbm>>) target(%arg9 : memref<100x128xf32, #tpu.memory_space<vmem>>) offsets(%dma_start3A_5 : memref<100xi32, #tpu.memory_space<vmem>>) semaphore(%arg12 : memref<!tpu.dma_semaphore, #tpu.memory_space<semaphore_mem>>)
    %scan3A = arith.constant 0 : i32
    %scan3A_9 = arith.constant 50 : i32
    %scan3A_10 = arith.addi %scan3A, %scan3A_9 : i32
    %scan3A_11 = arith.constant 1 : i32
    scf.for %scan3A_20 = %scan3A to %scan3A_10 step %scan3A_11  : i32 {
      %mul3A_21 = arith.constant 1 : i32
      %mul3A_22 = arith.muli %scan3A_20, %mul3A_21 : i32
      %add3A_23 = arith.constant 0 : i32
      %add3A_24 = arith.addi %add3A_23, %mul3A_22 : i32
      %mul3A_25 = arith.constant 2 : i32
      %mul3A_26 = arith.muli %mul3A_25, %add3A_24 : i32
      %add3A_27 = arith.constant 1 : i32
      %add3A_28 = arith.addi %mul3A_26, %add3A_27 : i32
      %dma_wait3A_29 = arith.constant 0 : i32
      %dma_wait3A_30 = tpu.memref_slice %arg7[%mul3A_26, %dma_wait3A_29] : memref<100x100xi32, #tpu.memory_space<vmem>> -> memref<1x100xi32, #tpu.memory_space<vmem>>
      %dma_wait3A_31 = tpu.memref_squeeze %dma_wait3A_30 : memref<1x100xi32, #tpu.memory_space<vmem>> -> memref<100xi32, #tpu.memory_space<vmem>>
      %dma_wait3A_32 = arith.constant 0 : i32
      %dma_wait3A_33 = arith.constant 0 : i32
      %dma_wait3A_34 = tpu.memref_slice %arg2[%dma_wait3A_32, %dma_wait3A_33] : memref<10000x128xf32, #tpu.memory_space<hbm>> -> memref<10000x128xf32, #tpu.memory_space<hbm>>
      tpu.wait_indirect_dma semaphore(%arg12 : memref<!tpu.dma_semaphore, #tpu.memory_space<semaphore_mem>>) src(%dma_wait3A_34 : memref<10000x128xf32, #tpu.memory_space<hbm>>) dst(%arg9 : memref<100x128xf32, #tpu.memory_space<vmem>>)
      %gt3A = arith.constant 0 : i32
      %gt3A_35 = arith.cmpi sgt, %add3A_24, %gt3A : i32
      %convert_element_type3A = arith.extui %gt3A_35 : i1 to i32
      %cond3A = arith.constant 0 : i32
      %cond3A_36 = arith.cmpi ne, %convert_element_type3A, %cond3A : i32
      scf.if %cond3A_36 {
        %sub3A = arith.constant 1 : i32
        %sub3A_71 = arith.subi %mul3A_26, %sub3A : i32
        %dma_wait3A_72 = arith.constant 0 : i32
        %dma_wait3A_73 = tpu.memref_slice %arg8[%sub3A_71, %dma_wait3A_72] : memref<100x100xi32, #tpu.memory_space<vmem>> -> memref<1x100xi32, #tpu.memory_space<vmem>>
        %dma_wait3A_74 = tpu.memref_squeeze %dma_wait3A_73 : memref<1x100xi32, #tpu.memory_space<vmem>> -> memref<100xi32, #tpu.memory_space<vmem>>
        %dma_wait3A_75 = arith.constant 0 : i32
        %dma_wait3A_76 = arith.constant 0 : i32
        %dma_wait3A_77 = tpu.memref_slice %arg11[%dma_wait3A_75, %dma_wait3A_76] : memref<10000x128xf32, #tpu.memory_space<vmem_shared>> -> memref<10000x128xf32, #tpu.memory_space<vmem_shared>>
        tpu.wait_indirect_dma semaphore(%arg15 : memref<!tpu.dma_semaphore, #tpu.memory_space<semaphore_mem>>) src(%arg10 : memref<100x128xf32, #tpu.memory_space<vmem>>) dst(%dma_wait3A_77 : memref<10000x128xf32, #tpu.memory_space<vmem_shared>>)
      } else {
      }
      %dma_start3A_37 = arith.constant 0 : i32
      %dma_start3A_38 = tpu.memref_slice %arg7[%add3A_28, %dma_start3A_37] : memref<100x100xi32, #tpu.memory_space<vmem>> -> memref<1x100xi32, #tpu.memory_space<vmem>>
      %dma_start3A_39 = tpu.memref_squeeze %dma_start3A_38 : memref<1x100xi32, #tpu.memory_space<vmem>> -> memref<100xi32, #tpu.memory_space<vmem>>
      %dma_start3A_40 = arith.constant 0 : i32
      %dma_start3A_41 = arith.constant 0 : i32
      %dma_start3A_42 = tpu.memref_slice %arg2[%dma_start3A_40, %dma_start3A_41] : memref<10000x128xf32, #tpu.memory_space<hbm>> -> memref<10000x128xf32, #tpu.memory_space<hbm>>
      tpu.enqueue_indirect_dma source(%dma_start3A_42 : memref<10000x128xf32, #tpu.memory_space<hbm>>) target(%arg10 : memref<100x128xf32, #tpu.memory_space<vmem>>) offsets(%dma_start3A_39 : memref<100xi32, #tpu.memory_space<vmem>>) semaphore(%arg13 : memref<!tpu.dma_semaphore, #tpu.memory_space<semaphore_mem>>)
      %dma_start3A_43 = arith.constant 0 : i32
      %dma_start3A_44 = tpu.memref_slice %arg8[%mul3A_26, %dma_start3A_43] : memref<100x100xi32, #tpu.memory_space<vmem>> -> memref<1x100xi32, #tpu.memory_space<vmem>>
      %dma_start3A_45 = tpu.memref_squeeze %dma_start3A_44 : memref<1x100xi32, #tpu.memory_space<vmem>> -> memref<100xi32, #tpu.memory_space<vmem>>
      %dma_start3A_46 = arith.constant 0 : i32
      %dma_start3A_47 = arith.constant 0 : i32
      %dma_start3A_48 = tpu.memref_slice %arg11[%dma_start3A_46, %dma_start3A_47] : memref<10000x128xf32, #tpu.memory_space<vmem_shared>> -> memref<10000x128xf32, #tpu.memory_space<vmem_shared>>
      tpu.enqueue_indirect_dma source(%arg9 : memref<100x128xf32, #tpu.memory_space<vmem>>) target(%dma_start3A_48 : memref<10000x128xf32, #tpu.memory_space<vmem_shared>>) offsets(%dma_start3A_45 : memref<100xi32, #tpu.memory_space<vmem>>) semaphore(%arg14 : memref<!tpu.dma_semaphore, #tpu.memory_space<semaphore_mem>>) {add = true}
      %dma_wait3A_49 = arith.constant 0 : i32
      %dma_wait3A_50 = tpu.memref_slice %arg7[%add3A_28, %dma_wait3A_49] : memref<100x100xi32, #tpu.memory_space<vmem>> -> memref<1x100xi32, #tpu.memory_space<vmem>>
      %dma_wait3A_51 = tpu.memref_squeeze %dma_wait3A_50 : memref<1x100xi32, #tpu.memory_space<vmem>> -> memref<100xi32, #tpu.memory_space<vmem>>
      %dma_wait3A_52 = arith.constant 0 : i32
      %dma_wait3A_53 = arith.constant 0 : i32
      %dma_wait3A_54 = tpu.memref_slice %arg2[%dma_wait3A_52, %dma_wait3A_53] : memref<10000x128xf32, #tpu.memory_space<hbm>> -> memref<10000x128xf32, #tpu.memory_space<hbm>>
      tpu.wait_indirect_dma semaphore(%arg13 : memref<!tpu.dma_semaphore, #tpu.memory_space<semaphore_mem>>) src(%dma_wait3A_54 : memref<10000x128xf32, #tpu.memory_space<hbm>>) dst(%arg10 : memref<100x128xf32, #tpu.memory_space<vmem>>)
      %dma_wait3A_55 = arith.constant 0 : i32
      %dma_wait3A_56 = tpu.memref_slice %arg8[%mul3A_26, %dma_wait3A_55] : memref<100x100xi32, #tpu.memory_space<vmem>> -> memref<1x100xi32, #tpu.memory_space<vmem>>
      %dma_wait3A_57 = tpu.memref_squeeze %dma_wait3A_56 : memref<1x100xi32, #tpu.memory_space<vmem>> -> memref<100xi32, #tpu.memory_space<vmem>>
      %dma_wait3A_58 = arith.constant 0 : i32
      %dma_wait3A_59 = arith.constant 0 : i32
      %dma_wait3A_60 = tpu.memref_slice %arg11[%dma_wait3A_58, %dma_wait3A_59] : memref<10000x128xf32, #tpu.memory_space<vmem_shared>> -> memref<10000x128xf32, #tpu.memory_space<vmem_shared>>
      tpu.wait_indirect_dma semaphore(%arg14 : memref<!tpu.dma_semaphore, #tpu.memory_space<semaphore_mem>>) src(%arg9 : memref<100x128xf32, #tpu.memory_space<vmem>>) dst(%dma_wait3A_60 : memref<10000x128xf32, #tpu.memory_space<vmem_shared>>)
      %dma_start3A_61 = arith.constant 0 : i32
      %dma_start3A_62 = tpu.memref_slice %arg8[%add3A_28, %dma_start3A_61] : memref<100x100xi32, #tpu.memory_space<vmem>> -> memref<1x100xi32, #tpu.memory_space<vmem>>
      %dma_start3A_63 = tpu.memref_squeeze %dma_start3A_62 : memref<1x100xi32, #tpu.memory_space<vmem>> -> memref<100xi32, #tpu.memory_space<vmem>>
      %dma_start3A_64 = arith.constant 0 : i32
      %dma_start3A_65 = arith.constant 0 : i32
      %dma_start3A_66 = tpu.memref_slice %arg11[%dma_start3A_64, %dma_start3A_65] : memref<10000x128xf32, #tpu.memory_space<vmem_shared>> -> memref<10000x128xf32, #tpu.memory_space<vmem_shared>>
      tpu.enqueue_indirect_dma source(%arg10 : memref<100x128xf32, #tpu.memory_space<vmem>>) target(%dma_start3A_66 : memref<10000x128xf32, #tpu.memory_space<vmem_shared>>) offsets(%dma_start3A_63 : memref<100xi32, #tpu.memory_space<vmem>>) semaphore(%arg15 : memref<!tpu.dma_semaphore, #tpu.memory_space<semaphore_mem>>) {add = true}
      %lt3A = arith.constant 49 : i32
      %lt3A_67 = arith.cmpi slt, %add3A_24, %lt3A : i32
      %convert_element_type3A_68 = arith.extui %lt3A_67 : i1 to i32
      %cond3A_69 = arith.constant 0 : i32
      %cond3A_70 = arith.cmpi ne, %convert_element_type3A_68, %cond3A_69 : i32
      scf.if %cond3A_70 {
        %add3A_71 = arith.constant 2 : i32
        %add3A_72 = arith.addi %mul3A_26, %add3A_71 : i32
        %dma_start3A_73 = arith.constant 0 : i32
        %dma_start3A_74 = tpu.memref_slice %arg7[%add3A_72, %dma_start3A_73] : memref<100x100xi32, #tpu.memory_space<vmem>> -> memref<1x100xi32, #tpu.memory_space<vmem>>
        %dma_start3A_75 = tpu.memref_squeeze %dma_start3A_74 : memref<1x100xi32, #tpu.memory_space<vmem>> -> memref<100xi32, #tpu.memory_space<vmem>>
        %dma_start3A_76 = arith.constant 0 : i32
        %dma_start3A_77 = arith.constant 0 : i32
        %dma_start3A_78 = tpu.memref_slice %arg2[%dma_start3A_76, %dma_start3A_77] : memref<10000x128xf32, #tpu.memory_space<hbm>> -> memref<10000x128xf32, #tpu.memory_space<hbm>>
        tpu.enqueue_indirect_dma source(%dma_start3A_78 : memref<10000x128xf32, #tpu.memory_space<hbm>>) target(%arg9 : memref<100x128xf32, #tpu.memory_space<vmem>>) offsets(%dma_start3A_75 : memref<100xi32, #tpu.memory_space<vmem>>) semaphore(%arg12 : memref<!tpu.dma_semaphore, #tpu.memory_space<semaphore_mem>>)
      } else {
      }
    }
    %scan3A_12 = arith.constant 50 : i32
    %dma_wait3A = arith.constant 99 : i32
    %dma_wait3A_13 = arith.constant 0 : i32
    %dma_wait3A_14 = tpu.memref_slice %arg8[%dma_wait3A, %dma_wait3A_13] : memref<100x100xi32, #tpu.memory_space<vmem>> -> memref<1x100xi32, #tpu.memory_space<vmem>>
    %dma_wait3A_15 = tpu.memref_squeeze %dma_wait3A_14 : memref<1x100xi32, #tpu.memory_space<vmem>> -> memref<100xi32, #tpu.memory_space<vmem>>
    %dma_wait3A_16 = arith.constant 0 : i32
    %dma_wait3A_17 = arith.constant 0 : i32
    %dma_wait3A_18 = tpu.memref_slice %arg11[%dma_wait3A_16, %dma_wait3A_17] : memref<10000x128xf32, #tpu.memory_space<vmem_shared>> -> memref<10000x128xf32, #tpu.memory_space<vmem_shared>>
    tpu.wait_indirect_dma semaphore(%arg15 : memref<!tpu.dma_semaphore, #tpu.memory_space<semaphore_mem>>) src(%arg10 : memref<100x128xf32, #tpu.memory_space<vmem>>) dst(%dma_wait3A_18 : memref<10000x128xf32, #tpu.memory_space<vmem_shared>>)
    %barrier3A_19 = arith.constant 0 : index
    tpu.barrier barrier_id(%barrier3A_19)
    "tpu.region"() ({
      %run_scoped3A = tpu.sem_alloc : memref<!tpu.dma_semaphore, #tpu.memory_space<semaphore_mem>>
      %dma_start3A_20 = arith.constant 0 : i32
      %dma_start3A_21 = tpu.memref_slice %arg6[%arg0, %mul3A_2, %dma_start3A_20] : memref<2x10000x128xf32, #tpu.memory_space<hbm>> -> memref<1x625x128xf32, #tpu.memory_space<hbm>>
      %dma_start3A_22 = tpu.memref_squeeze %dma_start3A_21 : memref<1x625x128xf32, #tpu.memory_space<hbm>> -> memref<625x128xf32, #tpu.memory_space<hbm>>
      %dma_start3A_23 = arith.constant 0 : i32
      %dma_start3A_24 = tpu.memref_slice %arg11[%mul3A_2, %dma_start3A_23] : memref<10000x128xf32, #tpu.memory_space<vmem_shared>> -> memref<625x128xf32, #tpu.memory_space<vmem_shared>>
      tpu.enqueue_dma source(%dma_start3A_24 : memref<625x128xf32, #tpu.memory_space<vmem_shared>>) target(%dma_start3A_22 : memref<625x128xf32, #tpu.memory_space<hbm>>) target_semaphore(%run_scoped3A : memref<!tpu.dma_semaphore, #tpu.memory_space<semaphore_mem>>)
      %dma_wait3A_25 = arith.constant 0 : i32
      %dma_wait3A_26 = tpu.memref_slice %arg6[%arg0, %mul3A_2, %dma_wait3A_25] : memref<2x10000x128xf32, #tpu.memory_space<hbm>> -> memref<1x625x128xf32, #tpu.memory_space<hbm>>
      %dma_wait3A_27 = tpu.memref_squeeze %dma_wait3A_26 : memref<1x625x128xf32, #tpu.memory_space<hbm>> -> memref<625x128xf32, #tpu.memory_space<hbm>>
      %dma_wait3A_28 = arith.constant 0 : i32
      %dma_wait3A_29 = tpu.memref_slice %arg11[%mul3A_2, %dma_wait3A_28] : memref<10000x128xf32, #tpu.memory_space<vmem_shared>> -> memref<625x128xf32, #tpu.memory_space<vmem_shared>>
      tpu.wait_dma2 semaphore(%run_scoped3A : memref<!tpu.dma_semaphore, #tpu.memory_space<semaphore_mem>>) src(%dma_wait3A_29 : memref<625x128xf32, #tpu.memory_space<vmem_shared>>) dst(%dma_wait3A_27 : memref<625x128xf32, #tpu.memory_space<hbm>>)
      tpu.yield
    }) : () -> ()
    return
  }
}

#map = affine_map<(d0, d1) -> (0, 0)>
#map1 = affine_map<(d0, d1) -> (0, 0, 0)>
module attributes {stable_mosaic.version = 14 : i64} {
  func.func @body(%arg0: i32, %arg1: i32, %arg2: memref<10000x128xf32, #tpu.memory_space<hbm>>, %arg3: memref<32x100x100xi32, #tpu.memory_space<hbm>>, %arg4: memref<32x100x100xi32, #tpu.memory_space<hbm>>, %arg5: memref<10000x128xf32, #tpu.memory_space<hbm>>, %arg6: memref<2x10000x128xf32, #tpu.memory_space<hbm>>, %arg7: memref<100x100xi32, #tpu.memory_space<vmem>>, %arg8: memref<100x100xi32, #tpu.memory_space<vmem>>, %arg9: memref<100x128xf32, #tpu.memory_space<vmem>>, %arg10: memref<100x128xf32, #tpu.memory_space<vmem>>, %arg11: memref<10000x128xf32, #tpu.memory_space<vmem_shared>>, %arg12: memref<!tpu.dma_semaphore, #tpu.memory_space<semaphore_mem>>, %arg13: memref<!tpu.dma_semaphore, #tpu.memory_space<semaphore_mem>>, %arg14: memref<!tpu.dma_semaphore, #tpu.memory_space<semaphore_mem>>, %arg15: memref<!tpu.dma_semaphore, #tpu.memory_space<semaphore_mem>>) attributes {dimension_semantics = [#tpu.dimension_semantics<core_parallel>, #tpu.dimension_semantics<subcore_parallel>], iteration_bounds = array<i64: 2, 16>, scalar_prefetch = 0 : i64, scratch_operands = 9 : i64, tpu.core_type = #tpu.core_type<sc_vector_subcore>, window_params = [{transform_indices = #map}, {transform_indices = #map1}, {transform_indices = #map1}, {transform_indices = #map}, {transform_indices = #map1}]} {
    %mul3A = arith.constant 2 : i32
    %mul3A_0 = arith.muli %arg1, %mul3A : i32
    %add3A = arith.addi %mul3A_0, %arg0 : i32
    %mul3A_1 = arith.constant 625 : i32
    %mul3A_2 = arith.muli %arg1, %mul3A_1 : i32
    "tpu.region"() ({
      %run_scoped3A = tpu.sem_alloc : memref<!tpu.dma_semaphore, #tpu.memory_space<semaphore_mem>>
      %dma_start3A_20 = arith.constant 0 : i32
      %dma_start3A_21 = arith.constant 0 : i32
      %dma_start3A_22 = tpu.memref_slice %arg3[%add3A, %dma_start3A_20, %dma_start3A_21] : memref<32x100x100xi32, #tpu.memory_space<hbm>> -> memref<1x100x100xi32, #tpu.memory_space<hbm>>
      %dma_start3A_23 = tpu.memref_squeeze %dma_start3A_22 : memref<1x100x100xi32, #tpu.memory_space<hbm>> -> memref<100x100xi32, #tpu.memory_space<hbm>>
      %dma_start3A_24 = arith.constant 0 : i32
      %dma_start3A_25 = arith.constant 0 : i32
      %dma_start3A_26 = tpu.memref_slice %arg3[%add3A, %dma_start3A_24, %dma_start3A_25] : memref<32x100x100xi32, #tpu.memory_space<hbm>> -> memref<1x100x100xi32, #tpu.memory_space<hbm>>
      %dma_start3A_27 = tpu.memref_squeeze %dma_start3A_26 : memref<1x100x100xi32, #tpu.memory_space<hbm>> -> memref<100x100xi32, #tpu.memory_space<hbm>>
      tpu.enqueue_dma source(%dma_start3A_27 : memref<100x100xi32, #tpu.memory_space<hbm>>) target(%arg7 : memref<100x100xi32, #tpu.memory_space<vmem>>) target_semaphore(%run_scoped3A : memref<!tpu.dma_semaphore, #tpu.memory_space<semaphore_mem>>)
      %dma_wait3A_28 = arith.constant 0 : i32
      %dma_wait3A_29 = arith.constant 0 : i32
      %dma_wait3A_30 = tpu.memref_slice %arg3[%add3A, %dma_wait3A_28, %dma_wait3A_29] : memref<32x100x100xi32, #tpu.memory_space<hbm>> -> memref<1x100x100xi32, #tpu.memory_space<hbm>>
      %dma_wait3A_31 = tpu.memref_squeeze %dma_wait3A_30 : memref<1x100x100xi32, #tpu.memory_space<hbm>> -> memref<100x100xi32, #tpu.memory_space<hbm>>
      %dma_wait3A_32 = arith.constant 0 : i32
      %dma_wait3A_33 = arith.constant 0 : i32
      %dma_wait3A_34 = tpu.memref_slice %arg3[%add3A, %dma_wait3A_32, %dma_wait3A_33] : memref<32x100x100xi32, #tpu.memory_space<hbm>> -> memref<1x100x100xi32, #tpu.memory_space<hbm>>
      %dma_wait3A_35 = tpu.memref_squeeze %dma_wait3A_34 : memref<1x100x100xi32, #tpu.memory_space<hbm>> -> memref<100x100xi32, #tpu.memory_space<hbm>>
      tpu.wait_dma2 semaphore(%run_scoped3A : memref<!tpu.dma_semaphore, #tpu.memory_space<semaphore_mem>>) src(%dma_wait3A_35 : memref<100x100xi32, #tpu.memory_space<hbm>>) dst(%arg7 : memref<100x100xi32, #tpu.memory_space<vmem>>)
      tpu.yield
    }) : () -> ()
    "tpu.region"() ({
      %run_scoped3A = tpu.sem_alloc : memref<!tpu.dma_semaphore, #tpu.memory_space<semaphore_mem>>
      %dma_start3A_20 = arith.constant 0 : i32
      %dma_start3A_21 = arith.constant 0 : i32
      %dma_start3A_22 = tpu.memref_slice %arg4[%add3A, %dma_start3A_20, %dma_start3A_21] : memref<32x100x100xi32, #tpu.memory_space<hbm>> -> memref<1x100x100xi32, #tpu.memory_space<hbm>>
      %dma_start3A_23 = tpu.memref_squeeze %dma_start3A_22 : memref<1x100x100xi32, #tpu.memory_space<hbm>> -> memref<100x100xi32, #tpu.memory_space<hbm>>
      %dma_start3A_24 = arith.constant 0 : i32
      %dma_start3A_25 = arith.constant 0 : i32
      %dma_start3A_26 = tpu.memref_slice %arg4[%add3A, %dma_start3A_24, %dma_start3A_25] : memref<32x100x100xi32, #tpu.memory_space<hbm>> -> memref<1x100x100xi32, #tpu.memory_space<hbm>>
      %dma_start3A_27 = tpu.memref_squeeze %dma_start3A_26 : memref<1x100x100xi32, #tpu.memory_space<hbm>> -> memref<100x100xi32, #tpu.memory_space<hbm>>
      tpu.enqueue_dma source(%dma_start3A_27 : memref<100x100xi32, #tpu.memory_space<hbm>>) target(%arg8 : memref<100x100xi32, #tpu.memory_space<vmem>>) target_semaphore(%run_scoped3A : memref<!tpu.dma_semaphore, #tpu.memory_space<semaphore_mem>>)
      %dma_wait3A_28 = arith.constant 0 : i32
      %dma_wait3A_29 = arith.constant 0 : i32
      %dma_wait3A_30 = tpu.memref_slice %arg4[%add3A, %dma_wait3A_28, %dma_wait3A_29] : memref<32x100x100xi32, #tpu.memory_space<hbm>> -> memref<1x100x100xi32, #tpu.memory_space<hbm>>
      %dma_wait3A_31 = tpu.memref_squeeze %dma_wait3A_30 : memref<1x100x100xi32, #tpu.memory_space<hbm>> -> memref<100x100xi32, #tpu.memory_space<hbm>>
      %dma_wait3A_32 = arith.constant 0 : i32
      %dma_wait3A_33 = arith.constant 0 : i32
      %dma_wait3A_34 = tpu.memref_slice %arg4[%add3A, %dma_wait3A_32, %dma_wait3A_33] : memref<32x100x100xi32, #tpu.memory_space<hbm>> -> memref<1x100x100xi32, #tpu.memory_space<hbm>>
      %dma_wait3A_35 = tpu.memref_squeeze %dma_wait3A_34 : memref<1x100x100xi32, #tpu.memory_space<hbm>> -> memref<100x100xi32, #tpu.memory_space<hbm>>
      tpu.wait_dma2 semaphore(%run_scoped3A : memref<!tpu.dma_semaphore, #tpu.memory_space<semaphore_mem>>) src(%dma_wait3A_35 : memref<100x100xi32, #tpu.memory_space<hbm>>) dst(%arg8 : memref<100x100xi32, #tpu.memory_space<vmem>>)
      tpu.yield
    }) : () -> ()
    "tpu.region"() ({
      %run_scoped3A = tpu.sem_alloc : memref<!tpu.dma_semaphore, #tpu.memory_space<semaphore_mem>>
      %dma_start3A_20 = arith.constant 0 : i32
      %dma_start3A_21 = tpu.memref_slice %arg11[%mul3A_2, %dma_start3A_20] : memref<10000x128xf32, #tpu.memory_space<vmem_shared>> -> memref<625x128xf32, #tpu.memory_space<vmem_shared>>
      %dma_start3A_22 = arith.constant 0 : i32
      %dma_start3A_23 = tpu.memref_slice %arg5[%mul3A_2, %dma_start3A_22] : memref<10000x128xf32, #tpu.memory_space<hbm>> -> memref<625x128xf32, #tpu.memory_space<hbm>>
      tpu.enqueue_dma source(%dma_start3A_23 : memref<625x128xf32, #tpu.memory_space<hbm>>) target(%dma_start3A_21 : memref<625x128xf32, #tpu.memory_space<vmem_shared>>) target_semaphore(%run_scoped3A : memref<!tpu.dma_semaphore, #tpu.memory_space<semaphore_mem>>)
      %dma_wait3A_24 = arith.constant 0 : i32
      %dma_wait3A_25 = tpu.memref_slice %arg11[%mul3A_2, %dma_wait3A_24] : memref<10000x128xf32, #tpu.memory_space<vmem_shared>> -> memref<625x128xf32, #tpu.memory_space<vmem_shared>>
      %dma_wait3A_26 = arith.constant 0 : i32
      %dma_wait3A_27 = tpu.memref_slice %arg5[%mul3A_2, %dma_wait3A_26] : memref<10000x128xf32, #tpu.memory_space<hbm>> -> memref<625x128xf32, #tpu.memory_space<hbm>>
      tpu.wait_dma2 semaphore(%run_scoped3A : memref<!tpu.dma_semaphore, #tpu.memory_space<semaphore_mem>>) src(%dma_wait3A_27 : memref<625x128xf32, #tpu.memory_space<hbm>>) dst(%dma_wait3A_25 : memref<625x128xf32, #tpu.memory_space<vmem_shared>>)
      tpu.yield
    }) : () -> ()
    %barrier3A = arith.constant 0 : index
    tpu.barrier barrier_id(%barrier3A)
    %dma_start3A = arith.constant 0 : i32
    %dma_start3A_3 = arith.constant 0 : i32
    %dma_start3A_4 = tpu.memref_slice %arg7[%dma_start3A, %dma_start3A_3] : memref<100x100xi32, #tpu.memory_space<vmem>> -> memref<1x100xi32, #tpu.memory_space<vmem>>
    %dma_start3A_5 = tpu.memref_squeeze %dma_start3A_4 : memref<1x100xi32, #tpu.memory_space<vmem>> -> memref<100xi32, #tpu.memory_space<vmem>>
    %dma_start3A_6 = arith.constant 0 : i32
    %dma_start3A_7 = arith.constant 0 : i32
    %dma_start3A_8 = tpu.memref_slice %arg2[%dma_start3A_6, %dma_start3A_7] : memref<10000x128xf32, #tpu.memory_space<hbm>> -> memref<10000x128xf32, #tpu.memory_space<hbm>>
    tpu.enqueue_indirect_dma source(%dma_start3A_8 : memref<10000x128xf32, #tpu.memory_space<hbm>>) target(%arg9 : memref<100x128xf32, #tpu.memory_space<vmem>>) offsets(%dma_start3A_5 : memref<100xi32, #tpu.memory_space<vmem>>) semaphore(%arg12 : memref<!tpu.dma_semaphore, #tpu.memory_space<semaphore_mem>>)
    %scan3A = arith.constant 0 : i32
    %scan3A_9 = arith.constant 50 : i32
    %scan3A_10 = arith.addi %scan3A, %scan3A_9 : i32
    %scan3A_11 = arith.constant 1 : i32
    scf.for %scan3A_20 = %scan3A to %scan3A_10 step %scan3A_11  : i32 {
      %mul3A_21 = arith.constant 1 : i32
      %mul3A_22 = arith.muli %scan3A_20, %mul3A_21 : i32
      %add3A_23 = arith.constant 0 : i32
      %add3A_24 = arith.addi %add3A_23, %mul3A_22 : i32
      %mul3A_25 = arith.constant 2 : i32
      %mul3A_26 = arith.muli %mul3A_25, %add3A_24 : i32
      %add3A_27 = arith.constant 1 : i32
      %add3A_28 = arith.addi %mul3A_26, %add3A_27 : i32
      %dma_wait3A_29 = arith.constant 0 : i32
      %dma_wait3A_30 = tpu.memref_slice %arg7[%mul3A_26, %dma_wait3A_29] : memref<100x100xi32, #tpu.memory_space<vmem>> -> memref<1x100xi32, #tpu.memory_space<vmem>>
      %dma_wait3A_31 = tpu.memref_squeeze %dma_wait3A_30 : memref<1x100xi32, #tpu.memory_space<vmem>> -> memref<100xi32, #tpu.memory_space<vmem>>
      %dma_wait3A_32 = arith.constant 0 : i32
      %dma_wait3A_33 = arith.constant 0 : i32
      %dma_wait3A_34 = tpu.memref_slice %arg2[%dma_wait3A_32, %dma_wait3A_33] : memref<10000x128xf32, #tpu.memory_space<hbm>> -> memref<10000x128xf32, #tpu.memory_space<hbm>>
      tpu.wait_indirect_dma semaphore(%arg12 : memref<!tpu.dma_semaphore, #tpu.memory_space<semaphore_mem>>) src(%dma_wait3A_34 : memref<10000x128xf32, #tpu.memory_space<hbm>>) dst(%arg9 : memref<100x128xf32, #tpu.memory_space<vmem>>)
      %gt3A = arith.constant 0 : i32
      %gt3A_35 = arith.cmpi sgt, %add3A_24, %gt3A : i32
      %convert_element_type3A = arith.extui %gt3A_35 : i1 to i32
      %cond3A = arith.constant 0 : i32
      %cond3A_36 = arith.cmpi ne, %convert_element_type3A, %cond3A : i32
      scf.if %cond3A_36 {
        %sub3A = arith.constant 1 : i32
        %sub3A_71 = arith.subi %mul3A_26, %sub3A : i32
        %dma_wait3A_72 = arith.constant 0 : i32
        %dma_wait3A_73 = tpu.memref_slice %arg8[%sub3A_71, %dma_wait3A_72] : memref<100x100xi32, #tpu.memory_space<vmem>> -> memref<1x100xi32, #tpu.memory_space<vmem>>
        %dma_wait3A_74 = tpu.memref_squeeze %dma_wait3A_73 : memref<1x100xi32, #tpu.memory_space<vmem>> -> memref<100xi32, #tpu.memory_space<vmem>>
        %dma_wait3A_75 = arith.constant 0 : i32
        %dma_wait3A_76 = arith.constant 0 : i32
        %dma_wait3A_77 = tpu.memref_slice %arg11[%dma_wait3A_75, %dma_wait3A_76] : memref<10000x128xf32, #tpu.memory_space<vmem_shared>> -> memref<10000x128xf32, #tpu.memory_space<vmem_shared>>
        tpu.wait_indirect_dma semaphore(%arg15 : memref<!tpu.dma_semaphore, #tpu.memory_space<semaphore_mem>>) src(%arg10 : memref<100x128xf32, #tpu.memory_space<vmem>>) dst(%dma_wait3A_77 : memref<10000x128xf32, #tpu.memory_space<vmem_shared>>)
      } else {
      }
      %dma_start3A_37 = arith.constant 0 : i32
      %dma_start3A_38 = tpu.memref_slice %arg7[%add3A_28, %dma_start3A_37] : memref<100x100xi32, #tpu.memory_space<vmem>> -> memref<1x100xi32, #tpu.memory_space<vmem>>
      %dma_start3A_39 = tpu.memref_squeeze %dma_start3A_38 : memref<1x100xi32, #tpu.memory_space<vmem>> -> memref<100xi32, #tpu.memory_space<vmem>>
      %dma_start3A_40 = arith.constant 0 : i32
      %dma_start3A_41 = arith.constant 0 : i32
      %dma_start3A_42 = tpu.memref_slice %arg2[%dma_start3A_40, %dma_start3A_41] : memref<10000x128xf32, #tpu.memory_space<hbm>> -> memref<10000x128xf32, #tpu.memory_space<hbm>>
      tpu.enqueue_indirect_dma source(%dma_start3A_42 : memref<10000x128xf32, #tpu.memory_space<hbm>>) target(%arg10 : memref<100x128xf32, #tpu.memory_space<vmem>>) offsets(%dma_start3A_39 : memref<100xi32, #tpu.memory_space<vmem>>) semaphore(%arg13 : memref<!tpu.dma_semaphore, #tpu.memory_space<semaphore_mem>>)
      %dma_start3A_43 = arith.constant 0 : i32
      %dma_start3A_44 = tpu.memref_slice %arg8[%mul3A_26, %dma_start3A_43] : memref<100x100xi32, #tpu.memory_space<vmem>> -> memref<1x100xi32, #tpu.memory_space<vmem>>
      %dma_start3A_45 = tpu.memref_squeeze %dma_start3A_44 : memref<1x100xi32, #tpu.memory_space<vmem>> -> memref<100xi32, #tpu.memory_space<vmem>>
      %dma_start3A_46 = arith.constant 0 : i32
      %dma_start3A_47 = arith.constant 0 : i32
      %dma_start3A_48 = tpu.memref_slice %arg11[%dma_start3A_46, %dma_start3A_47] : memref<10000x128xf32, #tpu.memory_space<vmem_shared>> -> memref<10000x128xf32, #tpu.memory_space<vmem_shared>>
      tpu.enqueue_indirect_dma source(%arg9 : memref<100x128xf32, #tpu.memory_space<vmem>>) target(%dma_start3A_48 : memref<10000x128xf32, #tpu.memory_space<vmem_shared>>) offsets(%dma_start3A_45 : memref<100xi32, #tpu.memory_space<vmem>>) semaphore(%arg14 : memref<!tpu.dma_semaphore, #tpu.memory_space<semaphore_mem>>) {add = true}
      %dma_wait3A_49 = arith.constant 0 : i32
      %dma_wait3A_50 = tpu.memref_slice %arg7[%add3A_28, %dma_wait3A_49] : memref<100x100xi32, #tpu.memory_space<vmem>> -> memref<1x100xi32, #tpu.memory_space<vmem>>
      %dma_wait3A_51 = tpu.memref_squeeze %dma_wait3A_50 : memref<1x100xi32, #tpu.memory_space<vmem>> -> memref<100xi32, #tpu.memory_space<vmem>>
      %dma_wait3A_52 = arith.constant 0 : i32
      %dma_wait3A_53 = arith.constant 0 : i32
      %dma_wait3A_54 = tpu.memref_slice %arg2[%dma_wait3A_52, %dma_wait3A_53] : memref<10000x128xf32, #tpu.memory_space<hbm>> -> memref<10000x128xf32, #tpu.memory_space<hbm>>
      tpu.wait_indirect_dma semaphore(%arg13 : memref<!tpu.dma_semaphore, #tpu.memory_space<semaphore_mem>>) src(%dma_wait3A_54 : memref<10000x128xf32, #tpu.memory_space<hbm>>) dst(%arg10 : memref<100x128xf32, #tpu.memory_space<vmem>>)
      %dma_wait3A_55 = arith.constant 0 : i32
      %dma_wait3A_56 = tpu.memref_slice %arg8[%mul3A_26, %dma_wait3A_55] : memref<100x100xi32, #tpu.memory_space<vmem>> -> memref<1x100xi32, #tpu.memory_space<vmem>>
      %dma_wait3A_57 = tpu.memref_squeeze %dma_wait3A_56 : memref<1x100xi32, #tpu.memory_space<vmem>> -> memref<100xi32, #tpu.memory_space<vmem>>
      %dma_wait3A_58 = arith.constant 0 : i32
      %dma_wait3A_59 = arith.constant 0 : i32
      %dma_wait3A_60 = tpu.memref_slice %arg11[%dma_wait3A_58, %dma_wait3A_59] : memref<10000x128xf32, #tpu.memory_space<vmem_shared>> -> memref<10000x128xf32, #tpu.memory_space<vmem_shared>>
      tpu.wait_indirect_dma semaphore(%arg14 : memref<!tpu.dma_semaphore, #tpu.memory_space<semaphore_mem>>) src(%arg9 : memref<100x128xf32, #tpu.memory_space<vmem>>) dst(%dma_wait3A_60 : memref<10000x128xf32, #tpu.memory_space<vmem_shared>>)
      %dma_start3A_61 = arith.constant 0 : i32
      %dma_start3A_62 = tpu.memref_slice %arg8[%add3A_28, %dma_start3A_61] : memref<100x100xi32, #tpu.memory_space<vmem>> -> memref<1x100xi32, #tpu.memory_space<vmem>>
      %dma_start3A_63 = tpu.memref_squeeze %dma_start3A_62 : memref<1x100xi32, #tpu.memory_space<vmem>> -> memref<100xi32, #tpu.memory_space<vmem>>
      %dma_start3A_64 = arith.constant 0 : i32
      %dma_start3A_65 = arith.constant 0 : i32
      %dma_start3A_66 = tpu.memref_slice %arg11[%dma_start3A_64, %dma_start3A_65] : memref<10000x128xf32, #tpu.memory_space<vmem_shared>> -> memref<10000x128xf32, #tpu.memory_space<vmem_shared>>
      tpu.enqueue_indirect_dma source(%arg10 : memref<100x128xf32, #tpu.memory_space<vmem>>) target(%dma_start3A_66 : memref<10000x128xf32, #tpu.memory_space<vmem_shared>>) offsets(%dma_start3A_63 : memref<100xi32, #tpu.memory_space<vmem>>) semaphore(%arg15 : memref<!tpu.dma_semaphore, #tpu.memory_space<semaphore_mem>>) {add = true}
      %lt3A = arith.constant 49 : i32
      %lt3A_67 = arith.cmpi slt, %add3A_24, %lt3A : i32
      %convert_element_type3A_68 = arith.extui %lt3A_67 : i1 to i32
      %cond3A_69 = arith.constant 0 : i32
      %cond3A_70 = arith.cmpi ne, %convert_element_type3A_68, %cond3A_69 : i32
      scf.if %cond3A_70 {
        %add3A_71 = arith.constant 2 : i32
        %add3A_72 = arith.addi %mul3A_26, %add3A_71 : i32
        %dma_start3A_73 = arith.constant 0 : i32
        %dma_start3A_74 = tpu.memref_slice %arg7[%add3A_72, %dma_start3A_73] : memref<100x100xi32, #tpu.memory_space<vmem>> -> memref<1x100xi32, #tpu.memory_space<vmem>>
        %dma_start3A_75 = tpu.memref_squeeze %dma_start3A_74 : memref<1x100xi32, #tpu.memory_space<vmem>> -> memref<100xi32, #tpu.memory_space<vmem>>
        %dma_start3A_76 = arith.constant 0 : i32
        %dma_start3A_77 = arith.constant 0 : i32
        %dma_start3A_78 = tpu.memref_slice %arg2[%dma_start3A_76, %dma_start3A_77] : memref<10000x128xf32, #tpu.memory_space<hbm>> -> memref<10000x128xf32, #tpu.memory_space<hbm>>
        tpu.enqueue_indirect_dma source(%dma_start3A_78 : memref<10000x128xf32, #tpu.memory_space<hbm>>) target(%arg9 : memref<100x128xf32, #tpu.memory_space<vmem>>) offsets(%dma_start3A_75 : memref<100xi32, #tpu.memory_space<vmem>>) semaphore(%arg12 : memref<!tpu.dma_semaphore, #tpu.memory_space<semaphore_mem>>)
      } else {
      }
    }
    %scan3A_12 = arith.constant 50 : i32
    %dma_wait3A = arith.constant 99 : i32
    %dma_wait3A_13 = arith.constant 0 : i32
    %dma_wait3A_14 = tpu.memref_slice %arg8[%dma_wait3A, %dma_wait3A_13] : memref<100x100xi32, #tpu.memory_space<vmem>> -> memref<1x100xi32, #tpu.memory_space<vmem>>
    %dma_wait3A_15 = tpu.memref_squeeze %dma_wait3A_14 : memref<1x100xi32, #tpu.memory_space<vmem>> -> memref<100xi32, #tpu.memory_space<vmem>>
    %dma_wait3A_16 = arith.constant 0 : i32
    %dma_wait3A_17 = arith.constant 0 : i32
    %dma_wait3A_18 = tpu.memref_slice %arg11[%dma_wait3A_16, %dma_wait3A_17] : memref<10000x128xf32, #tpu.memory_space<vmem_shared>> -> memref<10000x128xf32, #tpu.memory_space<vmem_shared>>
    tpu.wait_indirect_dma semaphore(%arg15 : memref<!tpu.dma_semaphore, #tpu.memory_space<semaphore_mem>>) src(%arg10 : memref<100x128xf32, #tpu.memory_space<vmem>>) dst(%dma_wait3A_18 : memref<10000x128xf32, #tpu.memory_space<vmem_shared>>)
    %barrier3A_19 = arith.constant 0 : index
    tpu.barrier barrier_id(%barrier3A_19)
    "tpu.region"() ({
      %run_scoped3A = tpu.sem_alloc : memref<!tpu.dma_semaphore, #tpu.memory_space<semaphore_mem>>
      %dma_start3A_20 = arith.constant 0 : i32
      %dma_start3A_21 = tpu.memref_slice %arg6[%arg0, %mul3A_2, %dma_start3A_20] : memref<2x10000x128xf32, #tpu.memory_space<hbm>> -> memref<1x625x128xf32, #tpu.memory_space<hbm>>
      %dma_start3A_22 = tpu.memref_squeeze %dma_start3A_21 : memref<1x625x128xf32, #tpu.memory_space<hbm>> -> memref<625x128xf32, #tpu.memory_space<hbm>>
      %dma_start3A_23 = arith.constant 0 : i32
      %dma_start3A_24 = tpu.memref_slice %arg11[%mul3A_2, %dma_start3A_23] : memref<10000x128xf32, #tpu.memory_space<vmem_shared>> -> memref<625x128xf32, #tpu.memory_space<vmem_shared>>
      tpu.enqueue_dma source(%dma_start3A_24 : memref<625x128xf32, #tpu.memory_space<vmem_shared>>) target(%dma_start3A_22 : memref<625x128xf32, #tpu.memory_space<hbm>>) target_semaphore(%run_scoped3A : memref<!tpu.dma_semaphore, #tpu.memory_space<semaphore_mem>>)
      %dma_wait3A_25 = arith.constant 0 : i32
      %dma_wait3A_26 = tpu.memref_slice %arg6[%arg0, %mul3A_2, %dma_wait3A_25] : memref<2x10000x128xf32, #tpu.memory_space<hbm>> -> memref<1x625x128xf32, #tpu.memory_space<hbm>>
      %dma_wait3A_27 = tpu.memref_squeeze %dma_wait3A_26 : memref<1x625x128xf32, #tpu.memory_space<hbm>> -> memref<625x128xf32, #tpu.memory_space<hbm>>
      %dma_wait3A_28 = arith.constant 0 : i32
      %dma_wait3A_29 = tpu.memref_slice %arg11[%mul3A_2, %dma_wait3A_28] : memref<10000x128xf32, #tpu.memory_space<vmem_shared>> -> memref<625x128xf32, #tpu.memory_space<vmem_shared>>
      tpu.wait_dma2 semaphore(%run_scoped3A : memref<!tpu.dma_semaphore, #tpu.memory_space<semaphore_mem>>) src(%dma_wait3A_29 : memref<625x128xf32, #tpu.memory_space<vmem_shared>>) dst(%dma_wait3A_27 : memref<625x128xf32, #tpu.memory_space<hbm>>)
      tpu.yield
    }) : () -> ()
    return
  }
}

module attributes {stable_mosaic.version = 14 : i64} {
  func.func @_tc_layer_body(%arg0: i32, %arg1: memref<1000x128xf32, #tpu.memory_space<vmem>>, %arg2: memref<2x1000x128xf32, #tpu.memory_space<vmem>>, %arg3: memref<2x1000x16xf32, #tpu.memory_space<vmem>>, %arg4: memref<128x128xf32, #tpu.memory_space<vmem>>, %arg5: memref<128x128xf32, #tpu.memory_space<vmem>>, %arg6: memref<1x128xf32, #tpu.memory_space<vmem>>, %arg7: memref<1x128xf32, #tpu.memory_space<vmem>>, %arg8: memref<1x128xf32, #tpu.memory_space<vmem>>, %arg9: memref<1x128xf32, #tpu.memory_space<vmem>>, %arg10: memref<1x128xf32, #tpu.memory_space<vmem>>, %arg11: memref<1000x128xf32, #tpu.memory_space<vmem>>) attributes {dimension_semantics = [#tpu.dimension_semantics<arbitrary>], iteration_bounds = array<i64: 10>, scalar_prefetch = 0 : i64, scratch_operands = 0 : i64, tpu.core_type = #tpu.core_type<tc>, window_params = [{transform_indices = @transform_0, window_bounds = array<i64: 1000, 128>}, {transform_indices = @transform_1, window_bounds = array<i64: 2, 1000, 128>}, {transform_indices = @transform_2, window_bounds = array<i64: 2, 1000, 16>}, {pipeline_mode = #tpu.pipeline_mode<synchronous>, transform_indices = @transform_3, window_bounds = array<i64: 128, 128>}, {pipeline_mode = #tpu.pipeline_mode<synchronous>, transform_indices = @transform_4, window_bounds = array<i64: 128, 128>}, {pipeline_mode = #tpu.pipeline_mode<synchronous>, transform_indices = @transform_5, window_bounds = array<i64: 1, 128>}, {pipeline_mode = #tpu.pipeline_mode<synchronous>, transform_indices = @transform_6, window_bounds = array<i64: 1, 128>}, {pipeline_mode = #tpu.pipeline_mode<synchronous>, transform_indices = @transform_7, window_bounds = array<i64: 1, 128>}, {pipeline_mode = #tpu.pipeline_mode<synchronous>, transform_indices = @transform_8, window_bounds = array<i64: 1, 128>}, {pipeline_mode = #tpu.pipeline_mode<synchronous>, transform_indices = @transform_9, window_bounds = array<i64: 1, 128>}, {transform_indices = @transform_10, window_bounds = array<i64: 1000, 128>}]} {
    %get3A = arith.constant 0 : index
    %get3A_0 = arith.constant 0 : index
    %get3A_1 = vector.load %arg1[%get3A, %get3A_0] : memref<1000x128xf32, #tpu.memory_space<vmem>>, vector<1000x128xf32>
    %get3A_2 = arith.constant 0 : index
    %get3A_3 = arith.constant 0 : index
    %get3A_4 = arith.constant 0 : index
    %get3A_5 = vector.load %arg2[%get3A_2, %get3A_3, %get3A_4] : memref<2x1000x128xf32, #tpu.memory_space<vmem>>, vector<1x1000x128xf32>
    %get3A_6 = vector.shape_cast %get3A_5 : vector<1x1000x128xf32> to vector<1000x128xf32>
    %get3A_7 = arith.constant 1 : index
    %get3A_8 = arith.constant 0 : index
    %get3A_9 = arith.constant 0 : index
    %get3A_10 = vector.load %arg2[%get3A_7, %get3A_8, %get3A_9] : memref<2x1000x128xf32, #tpu.memory_space<vmem>>, vector<1x1000x128xf32>
    %get3A_11 = vector.shape_cast %get3A_10 : vector<1x1000x128xf32> to vector<1000x128xf32>
    %add3A = arith.addf %get3A_6, %get3A_11 : vector<1000x128xf32>
    %get3A_12 = arith.constant 0 : index
    %get3A_13 = arith.constant 0 : index
    %get3A_14 = arith.constant 0 : index
    %get3A_15 = vector.load %arg3[%get3A_12, %get3A_13, %get3A_14] : memref<2x1000x16xf32, #tpu.memory_space<vmem>>, vector<1x1000x1xf32>
    %get3A_16 = vector.shape_cast %get3A_15 : vector<1x1000x1xf32> to vector<1000x1xf32>
    %get3A_17 = arith.constant 1 : index
    %get3A_18 = arith.constant 0 : index
    %get3A_19 = arith.constant 0 : index
    %get3A_20 = vector.load %arg3[%get3A_17, %get3A_18, %get3A_19] : memref<2x1000x16xf32, #tpu.memory_space<vmem>>, vector<1x1000x1xf32>
    %get3A_21 = vector.shape_cast %get3A_20 : vector<1x1000x1xf32> to vector<1000x1xf32>
    %add3A_22 = arith.addf %get3A_16, %get3A_21 : vector<1000x1xf32>
    %max3A = arith.constant 1.000000e+00 : f32
    %max3A_23 = vector.broadcast %max3A : f32 to vector<1000x1xf32>
    %max3A_24 = arith.maximumf %add3A_22, %max3A_23 : vector<1000x1xf32>
    %div3A = vector.broadcast %max3A_24 : vector<1000x1xf32> to vector<1000x128xf32>
    %div3A_25 = arith.divf %add3A, %div3A : vector<1000x128xf32>
    %get3A_26 = arith.constant 0 : index
    %get3A_27 = arith.constant 0 : index
    %get3A_28 = vector.load %arg4[%get3A_26, %get3A_27] : memref<128x128xf32, #tpu.memory_space<vmem>>, vector<128x128xf32>
    %dot_general3A = arith.constant dense<0.000000e+00> : vector<1000x128xf32>
    %dot_general3A_29 = tpu.matmul %get3A_1, %get3A_28, %dot_general3A {dimension_numbers = #tpu.dot_dimension_numbers<[1], [1], [0], [0], [0, 0, 1, 0], [], []>, transpose_lhs_hint = false} : vector<1000x128xf32>, vector<128x128xf32>, vector<1000x128xf32> -> vector<1000x128xf32>
    %get3A_30 = arith.constant 0 : index
    %get3A_31 = arith.constant 0 : index
    %get3A_32 = vector.load %arg5[%get3A_30, %get3A_31] : memref<128x128xf32, #tpu.memory_space<vmem>>, vector<128x128xf32>
    %dot_general3A_33 = arith.constant dense<0.000000e+00> : vector<1000x128xf32>
    %dot_general3A_34 = tpu.matmul %div3A_25, %get3A_32, %dot_general3A_33 {dimension_numbers = #tpu.dot_dimension_numbers<[1], [1], [0], [0], [0, 0, 1, 0], [], []>, transpose_lhs_hint = false} : vector<1000x128xf32>, vector<128x128xf32>, vector<1000x128xf32> -> vector<1000x128xf32>
    %add3A_35 = arith.addf %dot_general3A_29, %dot_general3A_34 : vector<1000x128xf32>
    %get3A_36 = arith.constant 0 : index
    %get3A_37 = arith.constant 0 : index
    %get3A_38 = vector.load %arg6[%get3A_36, %get3A_37] : memref<1x128xf32, #tpu.memory_space<vmem>>, vector<1x128xf32>
    %add3A_39 = vector.broadcast %get3A_38 : vector<1x128xf32> to vector<1000x128xf32>
    %add3A_40 = arith.addf %add3A_35, %add3A_39 : vector<1000x128xf32>
    %get3A_41 = arith.constant 0 : index
    %get3A_42 = arith.constant 0 : index
    %get3A_43 = vector.load %arg7[%get3A_41, %get3A_42] : memref<1x128xf32, #tpu.memory_space<vmem>>, vector<1x128xf32>
    %get3A_44 = arith.constant 0 : index
    %get3A_45 = arith.constant 0 : index
    %get3A_46 = vector.load %arg10[%get3A_44, %get3A_45] : memref<1x128xf32, #tpu.memory_space<vmem>>, vector<1x128xf32>
    %add3A_47 = arith.constant 9.99999974E-6 : f32
    %add3A_48 = vector.broadcast %add3A_47 : f32 to vector<1x128xf32>
    %add3A_49 = arith.addf %get3A_46, %add3A_48 : vector<1x128xf32>
    %rsqrt3A = math.rsqrt %add3A_49 : vector<1x128xf32>
    %mul3A = arith.mulf %get3A_43, %rsqrt3A : vector<1x128xf32>
    %get3A_50 = arith.constant 0 : index
    %get3A_51 = arith.constant 0 : index
    %get3A_52 = vector.load %arg8[%get3A_50, %get3A_51] : memref<1x128xf32, #tpu.memory_space<vmem>>, vector<1x128xf32>
    %get3A_53 = arith.constant 0 : index
    %get3A_54 = arith.constant 0 : index
    %get3A_55 = vector.load %arg9[%get3A_53, %get3A_54] : memref<1x128xf32, #tpu.memory_space<vmem>>, vector<1x128xf32>
    %mul3A_56 = arith.mulf %get3A_55, %mul3A : vector<1x128xf32>
    %sub3A = arith.subf %get3A_52, %mul3A_56 : vector<1x128xf32>
    %mul3A_57 = vector.broadcast %mul3A : vector<1x128xf32> to vector<1000x128xf32>
    %mul3A_58 = arith.mulf %add3A_40, %mul3A_57 : vector<1000x128xf32>
    %add3A_59 = vector.broadcast %sub3A : vector<1x128xf32> to vector<1000x128xf32>
    %add3A_60 = arith.addf %mul3A_58, %add3A_59 : vector<1000x128xf32>
    %ge3A = arith.constant 0.000000e+00 : f32
    %ge3A_61 = vector.broadcast %ge3A : f32 to vector<1000x128xf32>
    %ge3A_62 = arith.cmpf oge, %add3A_60, %ge3A_61 : vector<1000x128xf32>
    %mul3A_63 = arith.constant 0.00999999977 : f32
    %mul3A_64 = vector.broadcast %mul3A_63 : f32 to vector<1000x128xf32>
    %mul3A_65 = arith.mulf %mul3A_64, %add3A_60 : vector<1000x128xf32>
    %select_n3A = arith.select %ge3A_62, %add3A_60, %mul3A_65 : vector<1000x128xi1>, vector<1000x128xf32>
    %swap3A = arith.constant 0 : index
    %swap3A_66 = arith.constant 0 : index
    %swap3A_67 = vector.load %arg11[%swap3A, %swap3A_66] : memref<1000x128xf32, #tpu.memory_space<vmem>>, vector<1000x128xf32>
    tpu.vector_store %arg11[%swap3A, %swap3A_66], %select_n3A {strides = array<i32>} : memref<1000x128xf32, #tpu.memory_space<vmem>>, vector<1000x128xf32>,
    return
  }
  func.func @transform_0(%arg0: i32) -> (i32, i32) {
    %c0_i32 = arith.constant 0 : i32
    %c0_i32_0 = arith.constant 0 : i32
    return %arg0, %c0_i32 : i32, i32
  }
  func.func @transform_1(%arg0: i32) -> (i32, i32, i32) {
    %c0_i32 = arith.constant 0 : i32
    %c0_i32_0 = arith.constant 0 : i32
    %c0_i32_1 = arith.constant 0 : i32
    return %c0_i32, %arg0, %c0_i32_0 : i32, i32, i32
  }
  func.func @transform_2(%arg0: i32) -> (i32, i32, i32) {
    %c0_i32 = arith.constant 0 : i32
    %c0_i32_0 = arith.constant 0 : i32
    %c0_i32_1 = arith.constant 0 : i32
    return %c0_i32, %arg0, %c0_i32_0 : i32, i32, i32
  }
  func.func @transform_3(%arg0: i32) -> (i32, i32) {
    %c0_i32 = arith.constant 0 : i32
    %c0_i32_0 = arith.constant 0 : i32
    %c0_i32_1 = arith.constant 0 : i32
    return %c0_i32, %c0_i32_0 : i32, i32
  }
  func.func @transform_4(%arg0: i32) -> (i32, i32) {
    %c0_i32 = arith.constant 0 : i32
    %c0_i32_0 = arith.constant 0 : i32
    %c0_i32_1 = arith.constant 0 : i32
    return %c0_i32, %c0_i32_0 : i32, i32
  }
  func.func @transform_5(%arg0: i32) -> (i32, i32) {
    %c0_i32 = arith.constant 0 : i32
    %c0_i32_0 = arith.constant 0 : i32
    %c0_i32_1 = arith.constant 0 : i32
    return %c0_i32, %c0_i32_0 : i32, i32
  }
  func.func @transform_6(%arg0: i32) -> (i32, i32) {
    %c0_i32 = arith.constant 0 : i32
    %c0_i32_0 = arith.constant 0 : i32
    %c0_i32_1 = arith.constant 0 : i32
    return %c0_i32, %c0_i32_0 : i32, i32
  }
  func.func @transform_7(%arg0: i32) -> (i32, i32) {
    %c0_i32 = arith.constant 0 : i32
    %c0_i32_0 = arith.constant 0 : i32
    %c0_i32_1 = arith.constant 0 : i32
    return %c0_i32, %c0_i32_0 : i32, i32
  }
  func.func @transform_8(%arg0: i32) -> (i32, i32) {
    %c0_i32 = arith.constant 0 : i32
    %c0_i32_0 = arith.constant 0 : i32
    %c0_i32_1 = arith.constant 0 : i32
    return %c0_i32, %c0_i32_0 : i32, i32
  }
  func.func @transform_9(%arg0: i32) -> (i32, i32) {
    %c0_i32 = arith.constant 0 : i32
    %c0_i32_0 = arith.constant 0 : i32
    %c0_i32_1 = arith.constant 0 : i32
    return %c0_i32, %c0_i32_0 : i32, i32
  }
  func.func @transform_10(%arg0: i32) -> (i32, i32) {
    %c0_i32 = arith.constant 0 : i32
    %c0_i32_0 = arith.constant 0 : i32
    return %arg0, %c0_i32 : i32, i32
  }
}

module attributes {stable_mosaic.version = 14 : i64} {
  func.func @_tc_layer2_body(%arg0: i32, %arg1: memref<1000x128xf32, #tpu.memory_space<vmem>>, %arg2: memref<2x1000x128xf32, #tpu.memory_space<vmem>>, %arg3: memref<2x1000x16xf32, #tpu.memory_space<vmem>>, %arg4: memref<128x128xf32, #tpu.memory_space<vmem>>, %arg5: memref<128x128xf32, #tpu.memory_space<vmem>>, %arg6: memref<1x128xf32, #tpu.memory_space<vmem>>, %arg7: memref<1x128xf32, #tpu.memory_space<vmem>>, %arg8: memref<1x128xf32, #tpu.memory_space<vmem>>, %arg9: memref<1x128xf32, #tpu.memory_space<vmem>>, %arg10: memref<1x128xf32, #tpu.memory_space<vmem>>, %arg11: memref<48x128xf32, #tpu.memory_space<vmem>>, %arg12: memref<1000x128xf32, #tpu.memory_space<vmem>>, %arg13: memref<1000x48xf32, #tpu.memory_space<vmem>>) attributes {dimension_semantics = [#tpu.dimension_semantics<arbitrary>], iteration_bounds = array<i64: 10>, scalar_prefetch = 0 : i64, scratch_operands = 0 : i64, tpu.core_type = #tpu.core_type<tc>, window_params = [{transform_indices = @transform_0, window_bounds = array<i64: 1000, 128>}, {transform_indices = @transform_1, window_bounds = array<i64: 2, 1000, 128>}, {transform_indices = @transform_2, window_bounds = array<i64: 2, 1000, 16>}, {pipeline_mode = #tpu.pipeline_mode<synchronous>, transform_indices = @transform_3, window_bounds = array<i64: 128, 128>}, {pipeline_mode = #tpu.pipeline_mode<synchronous>, transform_indices = @transform_4, window_bounds = array<i64: 128, 128>}, {pipeline_mode = #tpu.pipeline_mode<synchronous>, transform_indices = @transform_5, window_bounds = array<i64: 1, 128>}, {pipeline_mode = #tpu.pipeline_mode<synchronous>, transform_indices = @transform_6, window_bounds = array<i64: 1, 128>}, {pipeline_mode = #tpu.pipeline_mode<synchronous>, transform_indices = @transform_7, window_bounds = array<i64: 1, 128>}, {pipeline_mode = #tpu.pipeline_mode<synchronous>, transform_indices = @transform_8, window_bounds = array<i64: 1, 128>}, {pipeline_mode = #tpu.pipeline_mode<synchronous>, transform_indices = @transform_9, window_bounds = array<i64: 1, 128>}, {pipeline_mode = #tpu.pipeline_mode<synchronous>, transform_indices = @transform_10, window_bounds = array<i64: 48, 128>}, {transform_indices = @transform_11, window_bounds = array<i64: 1000, 128>}, {transform_indices = @transform_12, window_bounds = array<i64: 1000, 48>}]} {
    %get3A = arith.constant 0 : index
    %get3A_0 = arith.constant 0 : index
    %get3A_1 = vector.load %arg1[%get3A, %get3A_0] : memref<1000x128xf32, #tpu.memory_space<vmem>>, vector<1000x128xf32>
    %get3A_2 = arith.constant 0 : index
    %get3A_3 = arith.constant 0 : index
    %get3A_4 = arith.constant 0 : index
    %get3A_5 = vector.load %arg2[%get3A_2, %get3A_3, %get3A_4] : memref<2x1000x128xf32, #tpu.memory_space<vmem>>, vector<1x1000x128xf32>
    %get3A_6 = vector.shape_cast %get3A_5 : vector<1x1000x128xf32> to vector<1000x128xf32>
    %get3A_7 = arith.constant 1 : index
    %get3A_8 = arith.constant 0 : index
    %get3A_9 = arith.constant 0 : index
    %get3A_10 = vector.load %arg2[%get3A_7, %get3A_8, %get3A_9] : memref<2x1000x128xf32, #tpu.memory_space<vmem>>, vector<1x1000x128xf32>
    %get3A_11 = vector.shape_cast %get3A_10 : vector<1x1000x128xf32> to vector<1000x128xf32>
    %add3A = arith.addf %get3A_6, %get3A_11 : vector<1000x128xf32>
    %get3A_12 = arith.constant 0 : index
    %get3A_13 = arith.constant 0 : index
    %get3A_14 = arith.constant 0 : index
    %get3A_15 = vector.load %arg3[%get3A_12, %get3A_13, %get3A_14] : memref<2x1000x16xf32, #tpu.memory_space<vmem>>, vector<1x1000x1xf32>
    %get3A_16 = vector.shape_cast %get3A_15 : vector<1x1000x1xf32> to vector<1000x1xf32>
    %get3A_17 = arith.constant 1 : index
    %get3A_18 = arith.constant 0 : index
    %get3A_19 = arith.constant 0 : index
    %get3A_20 = vector.load %arg3[%get3A_17, %get3A_18, %get3A_19] : memref<2x1000x16xf32, #tpu.memory_space<vmem>>, vector<1x1000x1xf32>
    %get3A_21 = vector.shape_cast %get3A_20 : vector<1x1000x1xf32> to vector<1000x1xf32>
    %add3A_22 = arith.addf %get3A_16, %get3A_21 : vector<1000x1xf32>
    %max3A = arith.constant 1.000000e+00 : f32
    %max3A_23 = vector.broadcast %max3A : f32 to vector<1000x1xf32>
    %max3A_24 = arith.maximumf %add3A_22, %max3A_23 : vector<1000x1xf32>
    %div3A = vector.broadcast %max3A_24 : vector<1000x1xf32> to vector<1000x128xf32>
    %div3A_25 = arith.divf %add3A, %div3A : vector<1000x128xf32>
    %get3A_26 = arith.constant 0 : index
    %get3A_27 = arith.constant 0 : index
    %get3A_28 = vector.load %arg4[%get3A_26, %get3A_27] : memref<128x128xf32, #tpu.memory_space<vmem>>, vector<128x128xf32>
    %dot_general3A = arith.constant dense<0.000000e+00> : vector<1000x128xf32>
    %dot_general3A_29 = tpu.matmul %get3A_1, %get3A_28, %dot_general3A {dimension_numbers = #tpu.dot_dimension_numbers<[1], [1], [0], [0], [0, 0, 1, 0], [], []>, transpose_lhs_hint = false} : vector<1000x128xf32>, vector<128x128xf32>, vector<1000x128xf32> -> vector<1000x128xf32>
    %get3A_30 = arith.constant 0 : index
    %get3A_31 = arith.constant 0 : index
    %get3A_32 = vector.load %arg5[%get3A_30, %get3A_31] : memref<128x128xf32, #tpu.memory_space<vmem>>, vector<128x128xf32>
    %dot_general3A_33 = arith.constant dense<0.000000e+00> : vector<1000x128xf32>
    %dot_general3A_34 = tpu.matmul %div3A_25, %get3A_32, %dot_general3A_33 {dimension_numbers = #tpu.dot_dimension_numbers<[1], [1], [0], [0], [0, 0, 1, 0], [], []>, transpose_lhs_hint = false} : vector<1000x128xf32>, vector<128x128xf32>, vector<1000x128xf32> -> vector<1000x128xf32>
    %add3A_35 = arith.addf %dot_general3A_29, %dot_general3A_34 : vector<1000x128xf32>
    %get3A_36 = arith.constant 0 : index
    %get3A_37 = arith.constant 0 : index
    %get3A_38 = vector.load %arg6[%get3A_36, %get3A_37] : memref<1x128xf32, #tpu.memory_space<vmem>>, vector<1x128xf32>
    %add3A_39 = vector.broadcast %get3A_38 : vector<1x128xf32> to vector<1000x128xf32>
    %add3A_40 = arith.addf %add3A_35, %add3A_39 : vector<1000x128xf32>
    %get3A_41 = arith.constant 0 : index
    %get3A_42 = arith.constant 0 : index
    %get3A_43 = vector.load %arg7[%get3A_41, %get3A_42] : memref<1x128xf32, #tpu.memory_space<vmem>>, vector<1x128xf32>
    %get3A_44 = arith.constant 0 : index
    %get3A_45 = arith.constant 0 : index
    %get3A_46 = vector.load %arg10[%get3A_44, %get3A_45] : memref<1x128xf32, #tpu.memory_space<vmem>>, vector<1x128xf32>
    %add3A_47 = arith.constant 9.99999974E-6 : f32
    %add3A_48 = vector.broadcast %add3A_47 : f32 to vector<1x128xf32>
    %add3A_49 = arith.addf %get3A_46, %add3A_48 : vector<1x128xf32>
    %rsqrt3A = math.rsqrt %add3A_49 : vector<1x128xf32>
    %mul3A = arith.mulf %get3A_43, %rsqrt3A : vector<1x128xf32>
    %get3A_50 = arith.constant 0 : index
    %get3A_51 = arith.constant 0 : index
    %get3A_52 = vector.load %arg8[%get3A_50, %get3A_51] : memref<1x128xf32, #tpu.memory_space<vmem>>, vector<1x128xf32>
    %get3A_53 = arith.constant 0 : index
    %get3A_54 = arith.constant 0 : index
    %get3A_55 = vector.load %arg9[%get3A_53, %get3A_54] : memref<1x128xf32, #tpu.memory_space<vmem>>, vector<1x128xf32>
    %mul3A_56 = arith.mulf %get3A_55, %mul3A : vector<1x128xf32>
    %sub3A = arith.subf %get3A_52, %mul3A_56 : vector<1x128xf32>
    %mul3A_57 = vector.broadcast %mul3A : vector<1x128xf32> to vector<1000x128xf32>
    %mul3A_58 = arith.mulf %add3A_40, %mul3A_57 : vector<1000x128xf32>
    %add3A_59 = vector.broadcast %sub3A : vector<1x128xf32> to vector<1000x128xf32>
    %add3A_60 = arith.addf %mul3A_58, %add3A_59 : vector<1000x128xf32>
    %ge3A = arith.constant 0.000000e+00 : f32
    %ge3A_61 = vector.broadcast %ge3A : f32 to vector<1000x128xf32>
    %ge3A_62 = arith.cmpf oge, %add3A_60, %ge3A_61 : vector<1000x128xf32>
    %mul3A_63 = arith.constant 0.00999999977 : f32
    %mul3A_64 = vector.broadcast %mul3A_63 : f32 to vector<1000x128xf32>
    %mul3A_65 = arith.mulf %mul3A_64, %add3A_60 : vector<1000x128xf32>
    %select_n3A = arith.select %ge3A_62, %add3A_60, %mul3A_65 : vector<1000x128xi1>, vector<1000x128xf32>
    %swap3A = arith.constant 0 : index
    %swap3A_66 = arith.constant 0 : index
    %swap3A_67 = vector.load %arg12[%swap3A, %swap3A_66] : memref<1000x128xf32, #tpu.memory_space<vmem>>, vector<1000x128xf32>
    tpu.vector_store %arg12[%swap3A, %swap3A_66], %select_n3A {strides = array<i32>} : memref<1000x128xf32, #tpu.memory_space<vmem>>, vector<1000x128xf32>,
    %get3A_68 = arith.constant 0 : index
    %get3A_69 = arith.constant 0 : index
    %get3A_70 = vector.load %arg11[%get3A_68, %get3A_69] : memref<48x128xf32, #tpu.memory_space<vmem>>, vector<48x128xf32>
    %dot_general3A_71 = arith.constant dense<0.000000e+00> : vector<1000x48xf32>
    %dot_general3A_72 = tpu.matmul %select_n3A, %get3A_70, %dot_general3A_71 {dimension_numbers = #tpu.dot_dimension_numbers<[1], [1], [0], [0], [0, 0, 1, 0], [], []>, transpose_lhs_hint = false} : vector<1000x128xf32>, vector<48x128xf32>, vector<1000x48xf32> -> vector<1000x48xf32>
    %swap3A_73 = arith.constant 0 : index
    %swap3A_74 = arith.constant 0 : index
    %swap3A_75 = vector.load %arg13[%swap3A_73, %swap3A_74] : memref<1000x48xf32, #tpu.memory_space<vmem>>, vector<1000x48xf32>
    tpu.vector_store %arg13[%swap3A_73, %swap3A_74], %dot_general3A_72 {strides = array<i32>} : memref<1000x48xf32, #tpu.memory_space<vmem>>, vector<1000x48xf32>,
    return
  }
  func.func @transform_0(%arg0: i32) -> (i32, i32) {
    %c0_i32 = arith.constant 0 : i32
    %c0_i32_0 = arith.constant 0 : i32
    return %arg0, %c0_i32 : i32, i32
  }
  func.func @transform_1(%arg0: i32) -> (i32, i32, i32) {
    %c0_i32 = arith.constant 0 : i32
    %c0_i32_0 = arith.constant 0 : i32
    %c0_i32_1 = arith.constant 0 : i32
    return %c0_i32, %arg0, %c0_i32_0 : i32, i32, i32
  }
  func.func @transform_2(%arg0: i32) -> (i32, i32, i32) {
    %c0_i32 = arith.constant 0 : i32
    %c0_i32_0 = arith.constant 0 : i32
    %c0_i32_1 = arith.constant 0 : i32
    return %c0_i32, %arg0, %c0_i32_0 : i32, i32, i32
  }
  func.func @transform_3(%arg0: i32) -> (i32, i32) {
    %c0_i32 = arith.constant 0 : i32
    %c0_i32_0 = arith.constant 0 : i32
    %c0_i32_1 = arith.constant 0 : i32
    return %c0_i32, %c0_i32_0 : i32, i32
  }
  func.func @transform_4(%arg0: i32) -> (i32, i32) {
    %c0_i32 = arith.constant 0 : i32
    %c0_i32_0 = arith.constant 0 : i32
    %c0_i32_1 = arith.constant 0 : i32
    return %c0_i32, %c0_i32_0 : i32, i32
  }
  func.func @transform_5(%arg0: i32) -> (i32, i32) {
    %c0_i32 = arith.constant 0 : i32
    %c0_i32_0 = arith.constant 0 : i32
    %c0_i32_1 = arith.constant 0 : i32
    return %c0_i32, %c0_i32_0 : i32, i32
  }
  func.func @transform_6(%arg0: i32) -> (i32, i32) {
    %c0_i32 = arith.constant 0 : i32
    %c0_i32_0 = arith.constant 0 : i32
    %c0_i32_1 = arith.constant 0 : i32
    return %c0_i32, %c0_i32_0 : i32, i32
  }
  func.func @transform_7(%arg0: i32) -> (i32, i32) {
    %c0_i32 = arith.constant 0 : i32
    %c0_i32_0 = arith.constant 0 : i32
    %c0_i32_1 = arith.constant 0 : i32
    return %c0_i32, %c0_i32_0 : i32, i32
  }
  func.func @transform_8(%arg0: i32) -> (i32, i32) {
    %c0_i32 = arith.constant 0 : i32
    %c0_i32_0 = arith.constant 0 : i32
    %c0_i32_1 = arith.constant 0 : i32
    return %c0_i32, %c0_i32_0 : i32, i32
  }
  func.func @transform_9(%arg0: i32) -> (i32, i32) {
    %c0_i32 = arith.constant 0 : i32
    %c0_i32_0 = arith.constant 0 : i32
    %c0_i32_1 = arith.constant 0 : i32
    return %c0_i32, %c0_i32_0 : i32, i32
  }
  func.func @transform_10(%arg0: i32) -> (i32, i32) {
    %c0_i32 = arith.constant 0 : i32
    %c0_i32_0 = arith.constant 0 : i32
    %c0_i32_1 = arith.constant 0 : i32
    return %c0_i32, %c0_i32_0 : i32, i32
  }
  func.func @transform_11(%arg0: i32) -> (i32, i32) {
    %c0_i32 = arith.constant 0 : i32
    %c0_i32_0 = arith.constant 0 : i32
    return %arg0, %c0_i32 : i32, i32
  }
  func.func @transform_12(%arg0: i32) -> (i32, i32) {
    %c0_i32 = arith.constant 0 : i32
    %c0_i32_0 = arith.constant 0 : i32
    return %arg0, %c0_i32 : i32, i32
  }
}

module attributes {stable_mosaic.version = 14 : i64} {
  func.func @_tc_final_body(%arg0: i32, %arg1: memref<1000x128xf32, #tpu.memory_space<vmem>>, %arg2: memref<2x1000x48xf32, #tpu.memory_space<vmem>>, %arg3: memref<2x1000x16xf32, #tpu.memory_space<vmem>>, %arg4: memref<40x128xf32, #tpu.memory_space<vmem>>, %arg5: memref<1x40xf32, #tpu.memory_space<vmem>>, %arg6: memref<1000x40xf32, #tpu.memory_space<vmem>>) attributes {dimension_semantics = [#tpu.dimension_semantics<arbitrary>], iteration_bounds = array<i64: 10>, scalar_prefetch = 0 : i64, scratch_operands = 0 : i64, tpu.core_type = #tpu.core_type<tc>, window_params = [{transform_indices = @transform_0, window_bounds = array<i64: 1000, 128>}, {transform_indices = @transform_1, window_bounds = array<i64: 2, 1000, 48>}, {transform_indices = @transform_2, window_bounds = array<i64: 2, 1000, 16>}, {pipeline_mode = #tpu.pipeline_mode<synchronous>, transform_indices = @transform_3, window_bounds = array<i64: 40, 128>}, {pipeline_mode = #tpu.pipeline_mode<synchronous>, transform_indices = @transform_4, window_bounds = array<i64: 1, 40>}, {transform_indices = @transform_5, window_bounds = array<i64: 1000, 40>}]} {
    %get3A = arith.constant 0 : index
    %get3A_0 = arith.constant 0 : index
    %get3A_1 = vector.load %arg1[%get3A, %get3A_0] : memref<1000x128xf32, #tpu.memory_space<vmem>>, vector<1000x128xf32>
    %get3A_2 = arith.constant 0 : index
    %get3A_3 = arith.constant 0 : index
    %get3A_4 = arith.constant 0 : index
    %get3A_5 = vector.load %arg2[%get3A_2, %get3A_3, %get3A_4] : memref<2x1000x48xf32, #tpu.memory_space<vmem>>, vector<1x1000x48xf32>
    %get3A_6 = vector.shape_cast %get3A_5 : vector<1x1000x48xf32> to vector<1000x48xf32>
    %get3A_7 = arith.constant 1 : index
    %get3A_8 = arith.constant 0 : index
    %get3A_9 = arith.constant 0 : index
    %get3A_10 = vector.load %arg2[%get3A_7, %get3A_8, %get3A_9] : memref<2x1000x48xf32, #tpu.memory_space<vmem>>, vector<1x1000x48xf32>
    %get3A_11 = vector.shape_cast %get3A_10 : vector<1x1000x48xf32> to vector<1000x48xf32>
    %add3A = arith.addf %get3A_6, %get3A_11 : vector<1000x48xf32>
    %get3A_12 = arith.constant 0 : index
    %get3A_13 = arith.constant 0 : index
    %get3A_14 = arith.constant 0 : index
    %get3A_15 = vector.load %arg3[%get3A_12, %get3A_13, %get3A_14] : memref<2x1000x16xf32, #tpu.memory_space<vmem>>, vector<1x1000x1xf32>
    %get3A_16 = vector.shape_cast %get3A_15 : vector<1x1000x1xf32> to vector<1000x1xf32>
    %get3A_17 = arith.constant 1 : index
    %get3A_18 = arith.constant 0 : index
    %get3A_19 = arith.constant 0 : index
    %get3A_20 = vector.load %arg3[%get3A_17, %get3A_18, %get3A_19] : memref<2x1000x16xf32, #tpu.memory_space<vmem>>, vector<1x1000x1xf32>
    %get3A_21 = vector.shape_cast %get3A_20 : vector<1x1000x1xf32> to vector<1000x1xf32>
    %add3A_22 = arith.addf %get3A_16, %get3A_21 : vector<1000x1xf32>
    %max3A = arith.constant 1.000000e+00 : f32
    %max3A_23 = vector.broadcast %max3A : f32 to vector<1000x1xf32>
    %max3A_24 = arith.maximumf %add3A_22, %max3A_23 : vector<1000x1xf32>
    %div3A = vector.broadcast %max3A_24 : vector<1000x1xf32> to vector<1000x48xf32>
    %div3A_25 = arith.divf %add3A, %div3A : vector<1000x48xf32>
    %get3A_26 = arith.constant 0 : index
    %get3A_27 = arith.constant 0 : index
    %get3A_28 = vector.load %arg4[%get3A_26, %get3A_27] : memref<40x128xf32, #tpu.memory_space<vmem>>, vector<40x128xf32>
    %dot_general3A = arith.constant dense<0.000000e+00> : vector<1000x40xf32>
    %dot_general3A_29 = tpu.matmul %get3A_1, %get3A_28, %dot_general3A {dimension_numbers = #tpu.dot_dimension_numbers<[1], [1], [0], [0], [0, 0, 1, 0], [], []>, transpose_lhs_hint = false} : vector<1000x128xf32>, vector<40x128xf32>, vector<1000x40xf32> -> vector<1000x40xf32>
    %get3A_30 = arith.constant 0 : index
    %get3A_31 = arith.constant 0 : index
    %get3A_32 = vector.load %arg5[%get3A_30, %get3A_31] : memref<1x40xf32, #tpu.memory_space<vmem>>, vector<1x40xf32>
    %add3A_33 = vector.broadcast %get3A_32 : vector<1x40xf32> to vector<1000x40xf32>
    %add3A_34 = arith.addf %dot_general3A_29, %add3A_33 : vector<1000x40xf32>
    %slice3A = vector.extract_strided_slice %div3A_25 {offsets = [0, 0], sizes = [1000, 40], strides = [1, 1]} : vector<1000x48xf32> to vector<1000x40xf32>
    %add3A_35 = arith.addf %add3A_34, %slice3A : vector<1000x40xf32>
    %swap3A = arith.constant 0 : index
    %swap3A_36 = arith.constant 0 : index
    %swap3A_37 = vector.load %arg6[%swap3A, %swap3A_36] : memref<1000x40xf32, #tpu.memory_space<vmem>>, vector<1000x40xf32>
    tpu.vector_store %arg6[%swap3A, %swap3A_36], %add3A_35 {strides = array<i32>} : memref<1000x40xf32, #tpu.memory_space<vmem>>, vector<1000x40xf32>,
    return
  }
  func.func @transform_0(%arg0: i32) -> (i32, i32) {
    %c0_i32 = arith.constant 0 : i32
    %c0_i32_0 = arith.constant 0 : i32
    return %arg0, %c0_i32 : i32, i32
  }
  func.func @transform_1(%arg0: i32) -> (i32, i32, i32) {
    %c0_i32 = arith.constant 0 : i32
    %c0_i32_0 = arith.constant 0 : i32
    %c0_i32_1 = arith.constant 0 : i32
    return %c0_i32, %arg0, %c0_i32_0 : i32, i32, i32
  }
  func.func @transform_2(%arg0: i32) -> (i32, i32, i32) {
    %c0_i32 = arith.constant 0 : i32
    %c0_i32_0 = arith.constant 0 : i32
    %c0_i32_1 = arith.constant 0 : i32
    return %c0_i32, %arg0, %c0_i32_0 : i32, i32, i32
  }
  func.func @transform_3(%arg0: i32) -> (i32, i32) {
    %c0_i32 = arith.constant 0 : i32
    %c0_i32_0 = arith.constant 0 : i32
    %c0_i32_1 = arith.constant 0 : i32
    return %c0_i32, %c0_i32_0 : i32, i32
  }
  func.func @transform_4(%arg0: i32) -> (i32, i32) {
    %c0_i32 = arith.constant 0 : i32
    %c0_i32_0 = arith.constant 0 : i32
    %c0_i32_1 = arith.constant 0 : i32
    return %c0_i32, %c0_i32_0 : i32, i32
  }
  func.func @transform_5(%arg0: i32) -> (i32, i32) {
    %c0_i32 = arith.constant 0 : i32
    %c0_i32_0 = arith.constant 0 : i32
    return %arg0, %c0_i32 : i32, i32
  }
}

</mosaic_0001>

<sc_bundles>
// kernel: kernel.12.cloned.1.call-start
scs
__scs_entry_jumppad:
0x0: {  	(pc) =	sbr.rel $0x88, $3  }
0x1: {  	(tag) =	ssettag $0x0;
	lr =	simm.s32 $0x1  }
0x2: {  	[smem:$0x3F92] =	sst lr;
	_ =	strace $0xD0000000  }
0x3: {  	_ = 	snop  }
0x4: {  	_ = 	snop  }
0x5: {  	_ = 	snop  }
0x6: {  	_ = 	snop  }
0x7: {  	_ = 	snop  }
__scs_overlays_trampoline_lowered:
0x8: {  	[smem:$0x3FA1] =	sst s0  }
0x9: {  	[smem:$0x3FA2] =	sst s1  }
0xa: {  	[smem:$0x3FA3] =	sst s2  }
0xb: {  	[smem:$0x3FA4] =	sst s3  }
0xc: {  	[smem:$0x3FA5] =	sst s4  }
0xd: {  	[smem:$0x3FA6] =	sst s5  }
0xe: {  	[smem:$0x3FA7] =	sst s6  }
0xf: {  	[smem:$0x3FA8] =	sst s7  }
0x10: {  	[smem:$0x3FA9] =	sst s8  }
0x11: {  	[smem:$0x3FAA] =	sst s9;
	s0 =	simm.s32 @!p0 $0x0  }
0x12: {  	s1 =	sld [smem:$0x3F90];
	s0 =	simm.s32 @p0 $0x1  }
0x13: {  	[smem:$0x3FAB] =	sst s0;
	s0 =	simm.s32 @!p1 $0x0  }
0x14: {  	s2 =	sld [smem:$0x3F8F];
	s0 =	simm.s32 @p1 $0x1  }
0x15: {  	[smem:$0x3FAC] =	sst s0;
	s0 =	simm.s32 @!p2 $0x0  }
0x16: {  	s3 =	sld [smem:$0x3FDB];
	s0 =	simm.s32 @p2 $0x1  }
0x17: {  	s4 =	simm.s32 $0x1BF5;
	[smem:$0x3FAE] =	sst s0  }
0x18: {  	s0 =	sld [smem:$0x3F91];
	_ =	swait.ge [sflag:s4], $0x0  }
0x19: {  	s7 =	sld [smem:$0x3F92]  }
0x1a: {  	s8 =	sadd.s32 $0xFFFFE003, lr  }
0x1b: {  	s9 =	sadd.s32 $0xFFFFFEF7, lr;
	s5 =	simm.s32 $0xFFFFFFFF;
	p2 =	slt.u32 s8, $0xFFFFF086  }
0x1c: {  	p1 =	slt.u32 s9, $0xF7A;
	s5 =	simm.s32 @!p2 $0x0  }
0x1d: {  	s5 =	simm.s32 @p1 $0x1;
	p0 =	seq.s32 s7, s2  }
0x1e: {  	s7 =	smul.u32 @!p0 $0xF7A, s2;
	p2 =	seq.s32 @!p0 s5, $0x0  }
0x1f: {  	s9 =	smul.u32 $0xF7A, s1;
	s8 =	simm.s32 @!p0 $0x1BF5;
	p2 =	por !p2, p0  }
0x20: {  	[sflag:s8] =	ssyncset.s32 @!p0 $0xFFFFF086;
	s6 =	sadd.s32 @!p0 s3, s7;
	s7 =	simm.s32 @!p0 $0x108  }
0x21: {  	s3 =	sadd.s32 s3, s9;
	s6 =	sadd.s32 @!p0 $0x88, s6;
	s7 =	simm.s32 @p2 $0x1082  }
0x22: {  	[simem:s7], [sflag:s8] =	dma.local @!p0 [hbm:s6], $0xF7A  }
0x23: {  	s9 =	sor.u32 $0xD0000000, s2;
	s6 =	simm.s32 $0x108;
	_ =	swait.ge @!p0 [sflag:s8], $0x0  }
0x24: {  	s3 =	sadd.s32 $0x88, s3;
	s6 =	simm.s32 @!p1 $0x1082;
	[sflag:s4] =	ssyncset.s32 $0xFFFFF086  }
0x25: {  	[simem:s6], [sflag:s4] =	dma.local [hbm:s3], $0xF7A  }
0x26: {  	[smem:$0x3F92] =	sst s1;
	(tag) =	ssettag s2;
	_ =	strace s9  }
0x27: {  	s1 =	sld [smem:$0x3FA2]  }
0x28: {  	s2 =	sld [smem:$0x3FA3]  }
0x29: {  	s4 =	sld [smem:$0x3FA5]  }
0x2a: {  	p0 =	seq.s32 s5, $0x0;
	s5 =	sld [smem:$0x3FA6]  }
0x2b: {  	s6 =	sld [smem:$0x3FA7]  }
0x2c: {  	s7 =	sld [smem:$0x3FA8]  }
0x2d: {  	s3 =	simm.s32 $0x108;
	s8 =	sld [smem:$0x3FA9]  }
0x2e: {  	s3 =	simm.s32 @!p0 $0x1082;
	s9 =	sld [smem:$0x3FAA]  }
0x2f: {  	lr =	sadd.s32 s0, s3;
	s0 =	sld [smem:$0x3FA1]  }
0x30: {  	s3 =	sld [smem:$0x3FA4]  }
0x31: {  	[smem:$0x3FAD] =	sst s10  }
0x32: {  	s10 =	sld [smem:$0x3FAB];
	_ =	sdelay $0x3  }
0x33: {  	p0 =	seq.s32 s10, $0x1;
	s10 =	sld [smem:$0x3FAD];
	_ =	sdelay $0x3  }
0x34: {  	[smem:$0x3FAD] =	sst s10  }
0x35: {  	s10 =	sld [smem:$0x3FAC];
	_ =	sdelay $0x3  }
0x36: {  	p1 =	seq.s32 s10, $0x1;
	s10 =	sld [smem:$0x3FAD];
	_ =	sdelay $0x3  }
0x37: {  	[smem:$0x3FAD] =	sst s10  }
0x38: {  	s10 =	sld [smem:$0x3FAE]  }
0x39: {  	_ = 	snop;
	(pc) =	sbr.ind lr, $3  }
0x3a: {  	_ = 	snop  }
0x3b: {  	_ = 	snop  }
0x3c: {  	p2 =	seq.s32 s10, $0x1;
	s10 =	sld [smem:$0x3FAD]  }
0x3d: {  	_ =	shalt  }
0x3e: {  	_ =	shalt  }
0x3f: {  	_ =	shalt  }
0x40: {  	_ =	shalt  }
0x41: {  	_ =	shalt  }
0x42: {  	_ =	shalt  }
0x43: {  	_ =	shalt  }
0x44: {  	_ =	shalt  }
0x45: {  	_ =	shalt  }
0x46: {  	_ =	shalt  }
0x47: {  	_ =	shalt  }
0x48: {  	_ =	shalt  }
0x49: {  	_ =	shalt  }
0x4a: {  	_ =	shalt  }
0x4b: {  	_ =	shalt  }
0x4c: {  	_ =	shalt  }
0x4d: {  	_ =	shalt  }
0x4e: {  	_ =	shalt  }
0x4f: {  	_ =	shalt  }
0x50: {  	_ =	shalt  }
0x51: {  	_ =	shalt  }
0x52: {  	_ =	shalt  }
0x53: {  	_ =	shalt  }
0x54: {  	_ =	shalt  }
0x55: {  	_ =	shalt  }
0x56: {  	_ =	shalt  }
0x57: {  	_ =	shalt  }
0x58: {  	_ =	shalt  }
0x59: {  	_ =	shalt  }
0x5a: {  	_ =	shalt  }
0x5b: {  	_ =	shalt  }
0x5c: {  	_ =	shalt  }
0x5d: {  	_ =	shalt  }
0x5e: {  	_ =	shalt  }
0x5f: {  	_ =	shalt  }
0x60: {  	_ =	shalt  }
0x61: {  	_ =	shalt  }
0x62: {  	_ =	shalt  }
0x63: {  	_ =	shalt  }
0x64: {  	_ =	shalt  }
0x65: {  	_ =	shalt  }
0x66: {  	_ =	shalt  }
0x67: {  	_ =	shalt  }
0x68: {  	_ =	shalt  }
0x69: {  	_ =	shalt  }
0x6a: {  	_ =	shalt  }
0x6b: {  	_ =	shalt  }
0x6c: {  	_ =	shalt  }
0x6d: {  	_ =	shalt  }
0x6e: {  	_ =	shalt  }
0x6f: {  	_ =	shalt  }
0x70: {  	_ =	shalt  }
0x71: {  	_ =	shalt  }
0x72: {  	_ =	shalt  }
0x73: {  	_ =	shalt  }
0x74: {  	_ =	shalt  }
0x75: {  	_ =	shalt  }
0x76: {  	_ =	shalt  }
0x77: {  	_ =	shalt  }
0x78: {  	_ =	shalt  }
0x79: {  	_ =	shalt  }
0x7a: {  	_ =	shalt  }
0x7b: {  	_ =	shalt  }
0x7c: {  	_ =	shalt  }
0x7d: {  	_ =	shalt  }
0x7e: {  	_ =	shalt  }
0x7f: {  	_ =	shalt  }
0x80: {  	_ =	shalt  }
0x81: {  	_ =	shalt  }
0x82: {  	_ =	shalt  }
0x83: {  	_ =	shalt  }
0x84: {  	_ =	shalt  }
0x85: {  	_ =	shalt  }
0x86: {  	_ =	shalt  }
0x87: {  	_ =	shalt  }
.Lfunc_end0:
.L_simem_size_0:
called_computation.1_lowered:
.L_overlay_start_0:
0x88: {  	s2 =	sld [smem:$0x3FD9]  }
0x89: {  	s3 =	sld [smem:$0x3FFE];
	_ =	sdelay $0x1  }
0x8a: {  	s1 =	srdreg.scid  }
0x8b: {  	s0 =	sand.u32 $0x1, s1  }
0x8c: {  	s17 =	sshll.u32 s0, $0xA;
	s2 =	sadd.s32 s3, s2  }
0x8d: {  	s2 =	sadd.s32 s2, s17  }
0x8e: {  	[smem:$0x3FB9] =	sst s2  }
0x8f: {  	_ = 	snop  }
0x90: {  	s18 =	sld [smem:$0x3FC9]  }
0x91: {  	s4 =	sld [smem:$0x3FD0];
	(tm) =	ssettm $0x1  }
0x92: {  	s19 =	sld [smem:$0x3FFB];
	_ =	sdelay $0x3  }
0x93: {  	_ =	strace s19  }
0x94: {  	s2 =	sld [smem:$0x3FFC];
	_ =	sdelay $0x3  }
0x95: {  	_ =	strace s2  }
0x96: {  	s2 =	sld [smem:$0x3FFD];
	_ =	sdelay $0x3  }
0x97: {  	_ =	strace s2  }
0x98: {  	_ =	strace $0x8FFFFFFF  }
0x99: {  	s20 =	sld [smem:$0x3FDB];
	_ =	sdelay $0x1  }
0x9a: {  	s5 =	simm.s32 $_scs_section_size  }
0x9b: {  	s6 =	simm.s32 $_size__tile_overlayer_lowered;
	s7 =	simm.s32 $_tile_overlayer_lowered  }
0x9c: {  	s8 =	simm.s32 $0x1BFF;
	s21 =	sshll.u32 s7, $0x1;
	s5 =	sadd.s32 s5, s20  }
0x9d: {  	s22 =	simm.s32 $0x0;
	s6 =	sshll.u32 s6, $0x1;
	s7 =	sadd.s32 s21, s5  }
0x9e: {  	[timem:s22], [sflag:s8] =	dma.local [hbm:s7], s6  }
0x9f: {  	_ =	swait.ge [sflag:s8], s6  }
0xa0: {  	s6 =	ssub.s32 $0x0, s6;
	[sflag:s8] =	ssyncset.done $0x0  }
0xa1: {  	[sflag:s8] =	ssyncadd.s32 s6;
	_ =	sdelay $0x1  }
0xa2: {  	s23 =	simm.s32 $0x1B8B  }
0xa3: {  	_ =	swait.ge [sflag:s23], $0x1  }
0xa4: {  	[sflag:s23] =	ssyncset.done $0x0  }
0xa5: {  	[sflag:s23] =	ssyncadd.s32 $0xFFFFFFFF  }
0xa6: {  	s6 =	sld [smem:$0x0]  }
0xa7: {  	s7 =	sand.u32 $0xFFFFFFFE, s1  }
0xa8: {  	p0 =	sne.s32 s1, s7  }
0xa9: {  	s7 =	sshll.u32 @p0 s7, $0xE  }
0xaa: {  	s7 =	sadd.s32 @p0 $0x11B8D, s7;
	s8 =	sshll.u32 @p0 s6, $0x11  }
0xab: {  	s7 =	sor.u32 @p0 s8, s7  }
0xac: {  	[sflag:s7] =	ssyncadd.remote.s32 @p0 $0x1;
	_ =	sdelay $0x1  }
0xad: {  	s7 =	simm.s32 @p0 $0x1B8D  }
0xae: {  	_ =	swait.eq @p0 [sflag:s7], $0x1  }
0xaf: {  	[sflag:s7] =	ssyncadd.s32 @p0 $0xFFFFFFFF  }
0xb0: {  	s8 =	sshll.u32 @!p0 s1, $0xE  }
0xb1: {  	s8 =	sor.u32 @!p0 $0x4000, s8;
	s7 =	simm.s32 @!p0 $0x1B8D  }
0xb2: {  	s6 =	sshll.u32 @!p0 s6, $0x11;
	s8 =	sadd.s32 @!p0 $0x11B8D, s8;
	_ =	swait.eq @!p0 [sflag:s7], $0x1  }
0xb3: {  	s6 =	sor.u32 @!p0 s6, s8;
	[sflag:s7] =	ssyncadd.s32 @!p0 $0xFFFFFFFF  }
0xb4: {  	s25 =	simm.s32 $0x1B8E;
	s24 =	sld [smem:$0x3FFE];
	[sflag:s6] =	ssyncadd.remote.s32 @!p0 $0x1  }
0xb5: {  	s26 =	simm.s32 $execute0_lowered;
	[smem:$0x3FD2] =	sst s25  }
0xb6: {  	s7 =	sshll.u32 s26, $0x1;
	_ =	strace $0x80000049;
	[dreg:$0x1] =	wrdreg $0xFFFFFFFF  }
0xb7: {  	s28 =	simm.s32 $_size_execute0_lowered;
	s5 =	sadd.s32 s5, s7;
	[dreg:$0x0] =	wrdreg $0x0  }
0xb8: {  	s7 =	sshll.u32 s28, $0x1;
	[dreg:$0x2] =	wrdreg s5  }
0xb9: {  	[dreg:$0x3] =	wrdreg s7  }
0xba: {  	[dreg:$0x4] =	wrdreg $0xC0  }
0xbb: {  	_ =	task [dreg:s22], $0x5FFFF  }
0xbc: {  	[dreg:$0x1] =	wrdreg $0xFFFFFFFF  }
0xbd: {  	[dreg:$0x0] =	wrdreg $0x60  }
0xbe: {  	[dreg:$0x2] =	wrdreg s18  }
0xbf: {  	[dreg:$0x3] =	wrdreg s4  }
0xc0: {  	[dreg:$0x4] =	wrdreg s24  }
0xc1: {  	[dreg:$0x5] =	wrdreg $0xB5400  }
0xc2: {  	[dreg:$0x6] =	wrdreg $0xA  }
0xc3: {  	_ =	task.clear_ibuf [dreg:s22], $0x7FFFF;
	_ =	strace $0x90000049  }
0xc4: {  	s29 =	simm.s32 $0xA;
	_ =	strace $0x8000004B  }
0xc5: {  	_ =	swait.ge [sflag:s29], $0x1  }
0xc6: {  	[sflag:s29] =	ssyncadd.s32 $0xFFFFFFFF  }
0xc7: {  	_ =	strace $0x9000004B  }
0xc8: {  	_ =	sfence  }
0xc9: {  	s30 =	sld [smem:$0x0];
	_ =	sdelay $0x2  }
0xca: {  	s31 =	sshll.u32 s1, $0xD;
	s1 =	sshrl.u32 s1, $0x2  }
0xcb: {  	s4 =	sand.u32 $0x4000, s31;
	s1 =	sadd.s32 s1, s30  }
0xcc: {  	s0 =	sor.u32 s4, s0;
	s1 =	sshll.u32 s1, $0x11  }
0xcd: {  	s0 =	sor.u32 s1, s0  }
0xce: {  	s0 =	sadd.s32 $0x8F2B, s0  }
0xcf: {  	[sflag:s0] =	ssyncadd.remote.s32 $0x1  }
0xd0: {  	_ =	sfence.sel $0xFFFF  }
0xd1: {  	[dreg:$0x0] =	wrdreg $0xFFFFFFFF;
	(pc) =	sbr.abs _section_cstart, $3  }
0xd2: {  	[dreg:$0x1] =	wrdreg $0xFFFFFFFF  }
0xd3: {  	_ =	task.clear_ibuf [dreg:s22], $0x2FFFF;
	_ =	strace $0x9FFFFFFF  }
0xd4: {  	(tm) =	ssettm $0x7FFFFFFF  }
0xd5: {  	_ =	shalt  }
tec
execute0_lowered:
.L_overlay_start_1:
0x0: {  	(tag) =	ssettag $0x1  }
0x1: {  	s1 =	rddreg [dreg:$0x0]  }
0x2: {  	s5 =	rddreg [dreg:$0x1]  }
0x3: {  	s2 =	srdreg.scid;
	s7 =	rddreg [dreg:$0x2]  }
0x4: {  	s0 =	stileid.u32;
	s3 =	rddreg [dreg:$0x3]  }
0x5: {  	s4 =	simm.s32 $0x0;
	s15 =	simm.s32 $0x5140;
	s16 =	simm.s32 $0x1  }
0x6: {  	s17 =	simm.s32 $0x68;
	s18 =	simm.s32 $0x8340;
	s19 =	simm.s32 $0x2  }
0x7: {  	s20 =	simm.s32 $0x3;
	s21 =	simm.s32 $0x2908;
	s22 =	simm.s32 $0xD0  }
0x8: {  	s23 =	simm.s32 $0x4;
	s24 =	simm.s32 $0x0;
	s6 =	sand.u32 $0x1, s2  }
0x9: {  	s30 =	sshll.u32 s0, $0x1;
	s9 =	smul.u32 $0x13880, s0;
	[smem:$0x7FF] =	sst s4  }
0xa: {  	s31 =	sshll.u32 s0, $0x6;
	s2 =	sor.u32 s6, s30;
	s10 =	smul.u32 $0x138800, s6  }
0xb: {  	s6 =	ssub.s32 $0x2, s6;
	s8 =	smul.u32 $0x514, s2;
	s2 =	rddreg [dreg:$0x4]  }
0xc: {  	_ =	strace $0x8000004A;
	s12 =	sshrl.u32 s9, $0x3;
	s13 =	sshrl.u32 s6, $0x1  }
0xd: {  	s14 =	sadd.s32 s9, s3;
	s10 =	sadd.s32 s9, s10;
	s12 =	sadd.s32 s12, s7  }
.Ltmp0:
0xe: {  	s13 =	ssub.s32 s6, s13;
	s11 =	sadd.s32 s8, s7;
	(pc) =	sbr.rel .LBB2_1-.Ltmp0, $4  }
0xf: {  	s10 =	sshrl.u32 s10, $0x3;
	s5 =	sadd.s32 s5, s8;
	s9 =	smax.u32 s13, $0x1  }
0x10: {  	s13 =	sshrl.u32 s14, $0x3;
	s14 =	simm.s32 $0x64;
	s10 =	sadd.s32 s10, s7  }
0x11: {  	s6 =	sadd.s32 $0x3200, s11;
	s7 =	sadd.s32 $0x1C600, s12;
	s11 =	simm.s32 $0x28A0  }
0x12: {  	s12 =	sor.u32 $0x1C05, s31;
	s8 =	sadd.s32 $0x43800, s10;
	s10 =	simm.s32 $0x5  }
.LBB2_4:
0x13: {  	_ =	swait.ge [sflag:s23], $0x3200  }
0x14: {  	s24 =	sadd.s32 $0x1, s24;
	[sflag:s23] =	ssyncset.done $0x0  }
0x15: {  	p0 =	sne.s32 s24, s9;
	[sflag:s23] =	ssyncadd.s32 $0xFFFFCE00  }
.Ltmp1:
0x16: {  	[bflag:$0x0] =	sbarrier.arrive $0xFFFF;
	(pc) =	sbr.rel @!p0 .LBB2_5-.Ltmp1, $4  }
0x17: {  	[hbm:s8], [sflag:s12] =	dma.local [spmem:s13], $0x2710  }
0x18: {  	_ =	swait.ge [sflag:s10], $0x2710  }
0x19: {  	[sflag:s10] =	ssyncset.done $0x0  }
0x1a: {  	[sflag:s10] =	ssyncadd.s32 $0xFFFFD8F0  }
.LBB2_1:
0x1b: {  	[tilespmem:s4], [sflag:$0x5] =	stream.linear.gather [hbm4b:s5+s4], $0x28A0, $0x38;
	[tilespmem:$0x1EDC0] =	vst v63  }
0x1c: {  	_ =	swait.ge [sflag:s10], $0x28A0  }
0x1d: {  	[sflag:s10] =	ssyncset.done $0x0  }
0x1e: {  	[sflag:s10] =	ssyncadd.s32 $0xFFFFD760  }
0x1f: {  	[tilespmem:s11], [sflag:$0x5] =	stream.linear.gather [hbm4b:s6+s4], $0x28A0, $0x38;
	[tilespmem:$0x1EDC0] =	vst v63  }
0x20: {  	_ =	swait.ge [sflag:s10], $0x28A0  }
0x21: {  	[sflag:s10] =	ssyncset.done $0x0  }
0x22: {  	[sflag:s10] =	ssyncadd.s32 $0xFFFFD760  }
0x23: {  	[spmem:s13], [sflag:s12] =	dma.local [hbm:s7], $0x2710  }
0x24: {  	_ =	swait.ge [sflag:s10], $0x2710  }
0x25: {  	[sflag:s10] =	ssyncset.done $0x0  }
0x26: {  	[sflag:s10] =	ssyncadd.s32 $0xFFFFD8F0  }
0x27: {  	[bflag:$0x0] =	sbarrier.arrive $0xFFFF  }
0x28: {  	[tilespmem:s15], [sflag:$0x1] =	stream.indirect.gather [hbm4b:s1+s14], $0x80, s4, s14, $0xb8;
	[tilespmem:$0x1EDC0] =	vst v63  }
0x29: {  	_ =	swait.ge [sflag:s16], $0x3200  }
0x2a: {  	[sflag:s16] =	ssyncset.done $0x0  }
0x2b: {  	[sflag:s16] =	ssyncadd.s32 $0xFFFFCE00  }
0x2c: {  	[tilespmem:s18], [sflag:$0x2] =	stream.indirect.gather [hbm4b:s1+s14], $0x80, s17, s14, $0xb8;
	[tilespmem:$0x1EDC0] =	vst v63  }
0x2d: {  	_ = 	snop  }
0x2e: {  	[spmem:s3] =	stream.indirect.scatter.add.f32 [tilespmem:s15], [sflag:$0x3], $0x80, s11, s14, $0xb8;
	[tilespmem:$0x1EDC0] =	vst v63  }
0x2f: {  	_ =	swait.ge [sflag:s19], $0x3200  }
0x30: {  	[sflag:s19] =	ssyncset.done $0x0  }
0x31: {  	[sflag:s19] =	ssyncadd.s32 $0xFFFFCE00  }
0x32: {  	_ =	swait.ge [sflag:s20], $0x3200  }
0x33: {  	[sflag:s20] =	ssyncset.done $0x0  }
0x34: {  	[sflag:s20] =	ssyncadd.s32 $0xFFFFCE00  }
0x35: {  	[spmem:s3] =	stream.indirect.scatter.add.f32 [tilespmem:s18], [sflag:$0x4], $0x80, s21, s14, $0xb8;
	[tilespmem:$0x1EDC0] =	vst v63  }
0x36: {  	s25 =	simm.s32 $0xFFFF6400  }
0x37: {  	[tilespmem:s15], [sflag:$0x1] =	stream.indirect.gather [hbm4b:s1+s14], $0x80, s22, s14, $0xb8;
	[tilespmem:$0x1EDC0] =	vst v63  }
.LBB2_2:
0x38: {  	_ =	swait.ge [sflag:s16], $0x3200  }
0x39: {  	[sflag:s16] =	ssyncset.done $0x0  }
0x3a: {  	[sflag:s16] =	ssyncadd.s32 $0xFFFFCE00  }
0x3b: {  	_ =	swait.ge [sflag:s23], $0x3200  }
0x3c: {  	s26 =	sshra.s32 s25, $0x2;
	[sflag:s23] =	ssyncset.done $0x0  }
0x3d: {  	s28 =	sadd.s32 $0x2838, s26;
	[sflag:s23] =	ssyncadd.s32 $0xFFFFCE00  }
0x3e: {  	[tilespmem:s18], [sflag:$0x2] =	stream.indirect.gather [hbm4b:s1+s14], $0x80, s28, s14, $0xb8;
	[tilespmem:$0x1EDC0] =	vst v63  }
0x3f: {  	s30 =	sadd.s32 $0x5070, s26  }
0x40: {  	[spmem:s3] =	stream.indirect.scatter.add.f32 [tilespmem:s15], [sflag:$0x3], $0x80, s30, s14, $0xb8;
	[tilespmem:$0x1EDC0] =	vst v63  }
0x41: {  	_ =	swait.ge [sflag:s19], $0x3200  }
0x42: {  	p0 =	seq.s32 s25, $0x0;
	[sflag:s19] =	ssyncset.done $0x0  }
.Ltmp2:
0x43: {  	[sflag:s19] =	ssyncadd.s32 $0xFFFFCE00;
	(pc) =	sbr.rel @p0 .LBB2_4-.Ltmp2, $4  }
0x44: {  	_ =	swait.ge [sflag:s20], $0x3200  }
0x45: {  	[sflag:s20] =	ssyncset.done $0x0  }
0x46: {  	s31 =	sadd.s32 $0x50D8, s26;
	[sflag:s20] =	ssyncadd.s32 $0xFFFFCE00  }
0x47: {  	[spmem:s3] =	stream.indirect.scatter.add.f32 [tilespmem:s18], [sflag:$0x4], $0x80, s31, s14, $0xb8;
	[tilespmem:$0x1EDC0] =	vst v63  }
.Ltmp3:
0x48: {  	(pc) =	sbr.rel .LBB2_2-.Ltmp3, $3  }
0x49: {  	_ =	sdelay $0x1  }
0x4a: {  	s26 =	sadd.s32 $0x28A0, s26;
	s25 =	sadd.s32 $0x340, s25  }
0x4b: {  	[tilespmem:s15], [sflag:$0x1] =	stream.indirect.gather [hbm4b:s1+s14], $0x80, s26, s14, $0xb8;
	[tilespmem:$0x1EDC0] =	vst v63  }
.LBB2_5:
0x4c: {  	_ =	sfence.sel $0x180000  }
0x4d: {  	[bflag:$0x0] =	sbarrier.arrive $0xFFFF  }
0x4e: {  	p0 =	sne.s32 s0, $0x0;
	_ =	strace $0x9000004A  }
0x4f: {  	s0 =	sadd.s32 @!p0 $0x100000, s2;
	[bflag:$0x2] =	sbarrier.arrive $0xFFFF  }
0x50: {  	[sflag:s0] =	ssyncadd.tile.s32 @!p0 $0x1;
	_ =	shalt  }
.Lfunc_end2:
_tile_overlayer_lowered:
.L_overlay_start_2:
0x51: {  	(tag) =	ssettag $0x2  }
0x52: {  	s0 =	rddreg [dreg:$0x0];
	s2 =	stileid.u32  }
0x53: {  	s1 =	rddreg [dreg:$0x1];
	p0 =	sne.s32 s2, $0x0  }
0x54: {  	s3 =	rddreg [dreg:$0x2];
	[bflag:$0x3] =	sbarrier.arrive $0xFFFF;
	s2 =	simm.s32 @!p0 $0x1C05  }
0x55: {  	[timem:s3], [sflag:s2] =	dma.local @!p0 [hbm:s0], s1  }
0x56: {  	s0 =	simm.s32 @!p0 $0x5  }
0x57: {  	_ =	swait.ge @!p0 [sflag:s0], s1  }
0x58: {  	s1 =	ssub.s32 @!p0 $0x0, s1;
	[sflag:s0] =	ssyncset.done @!p0 $0x0  }
0x59: {  	[sflag:s0] =	ssyncadd.s32 @!p0 s1  }
0x5a: {  	[bflag:$0x3] =	sbarrier.arrive $0xFFFF  }
0x5b: {  	_ =	shalt  }

// kernel: kernel.15.cloned.1.call-start
scs
__scs_entry_jumppad:
0x0: {  	(pc) =	sbr.rel $0x88, $3  }
0x1: {  	(tag) =	ssettag $0x0;
	lr =	simm.s32 $0x1  }
0x2: {  	[smem:$0x3F92] =	sst lr;
	_ =	strace $0xD0000000  }
0x3: {  	_ = 	snop  }
0x4: {  	_ = 	snop  }
0x5: {  	_ = 	snop  }
0x6: {  	_ = 	snop  }
0x7: {  	_ = 	snop  }
__scs_overlays_trampoline_lowered:
0x8: {  	[smem:$0x3FA1] =	sst s0  }
0x9: {  	[smem:$0x3FA2] =	sst s1  }
0xa: {  	[smem:$0x3FA3] =	sst s2  }
0xb: {  	[smem:$0x3FA4] =	sst s3  }
0xc: {  	[smem:$0x3FA5] =	sst s4  }
0xd: {  	[smem:$0x3FA6] =	sst s5  }
0xe: {  	[smem:$0x3FA7] =	sst s6  }
0xf: {  	[smem:$0x3FA8] =	sst s7  }
0x10: {  	[smem:$0x3FA9] =	sst s8  }
0x11: {  	[smem:$0x3FAA] =	sst s9;
	s0 =	simm.s32 @!p0 $0x0  }
0x12: {  	s1 =	sld [smem:$0x3F90];
	s0 =	simm.s32 @p0 $0x1  }
0x13: {  	[smem:$0x3FAB] =	sst s0;
	s0 =	simm.s32 @!p1 $0x0  }
0x14: {  	s2 =	sld [smem:$0x3F8F];
	s0 =	simm.s32 @p1 $0x1  }
0x15: {  	[smem:$0x3FAC] =	sst s0;
	s0 =	simm.s32 @!p2 $0x0  }
0x16: {  	s3 =	sld [smem:$0x3FDB];
	s0 =	simm.s32 @p2 $0x1  }
0x17: {  	s4 =	simm.s32 $0x1BF5;
	[smem:$0x3FAE] =	sst s0  }
0x18: {  	s0 =	sld [smem:$0x3F91];
	_ =	swait.ge [sflag:s4], $0x0  }
0x19: {  	s7 =	sld [smem:$0x3F92]  }
0x1a: {  	s8 =	sadd.s32 $0xFFFFE003, lr  }
0x1b: {  	s9 =	sadd.s32 $0xFFFFFEF7, lr;
	s5 =	simm.s32 $0xFFFFFFFF;
	p2 =	slt.u32 s8, $0xFFFFF086  }
0x1c: {  	p1 =	slt.u32 s9, $0xF7A;
	s5 =	simm.s32 @!p2 $0x0  }
0x1d: {  	s5 =	simm.s32 @p1 $0x1;
	p0 =	seq.s32 s7, s2  }
0x1e: {  	s7 =	smul.u32 @!p0 $0xF7A, s2;
	p2 =	seq.s32 @!p0 s5, $0x0  }
0x1f: {  	s9 =	smul.u32 $0xF7A, s1;
	s8 =	simm.s32 @!p0 $0x1BF5;
	p2 =	por !p2, p0  }
0x20: {  	[sflag:s8] =	ssyncset.s32 @!p0 $0xFFFFF086;
	s6 =	sadd.s32 @!p0 s3, s7;
	s7 =	simm.s32 @!p0 $0x108  }
0x21: {  	s3 =	sadd.s32 s3, s9;
	s6 =	sadd.s32 @!p0 $0x88, s6;
	s7 =	simm.s32 @p2 $0x1082  }
0x22: {  	[simem:s7], [sflag:s8] =	dma.local @!p0 [hbm:s6], $0xF7A  }
0x23: {  	s9 =	sor.u32 $0xD0000000, s2;
	s6 =	simm.s32 $0x108;
	_ =	swait.ge @!p0 [sflag:s8], $0x0  }
0x24: {  	s3 =	sadd.s32 $0x88, s3;
	s6 =	simm.s32 @!p1 $0x1082;
	[sflag:s4] =	ssyncset.s32 $0xFFFFF086  }
0x25: {  	[simem:s6], [sflag:s4] =	dma.local [hbm:s3], $0xF7A  }
0x26: {  	[smem:$0x3F92] =	sst s1;
	(tag) =	ssettag s2;
	_ =	strace s9  }
0x27: {  	s1 =	sld [smem:$0x3FA2]  }
0x28: {  	s2 =	sld [smem:$0x3FA3]  }
0x29: {  	s4 =	sld [smem:$0x3FA5]  }
0x2a: {  	p0 =	seq.s32 s5, $0x0;
	s5 =	sld [smem:$0x3FA6]  }
0x2b: {  	s6 =	sld [smem:$0x3FA7]  }
0x2c: {  	s7 =	sld [smem:$0x3FA8]  }
0x2d: {  	s3 =	simm.s32 $0x108;
	s8 =	sld [smem:$0x3FA9]  }
0x2e: {  	s3 =	simm.s32 @!p0 $0x1082;
	s9 =	sld [smem:$0x3FAA]  }
0x2f: {  	lr =	sadd.s32 s0, s3;
	s0 =	sld [smem:$0x3FA1]  }
0x30: {  	s3 =	sld [smem:$0x3FA4]  }
0x31: {  	[smem:$0x3FAD] =	sst s10  }
0x32: {  	s10 =	sld [smem:$0x3FAB];
	_ =	sdelay $0x3  }
0x33: {  	p0 =	seq.s32 s10, $0x1;
	s10 =	sld [smem:$0x3FAD];
	_ =	sdelay $0x3  }
0x34: {  	[smem:$0x3FAD] =	sst s10  }
0x35: {  	s10 =	sld [smem:$0x3FAC];
	_ =	sdelay $0x3  }
0x36: {  	p1 =	seq.s32 s10, $0x1;
	s10 =	sld [smem:$0x3FAD];
	_ =	sdelay $0x3  }
0x37: {  	[smem:$0x3FAD] =	sst s10  }
0x38: {  	s10 =	sld [smem:$0x3FAE]  }
0x39: {  	_ = 	snop;
	(pc) =	sbr.ind lr, $3  }
0x3a: {  	_ = 	snop  }
0x3b: {  	_ = 	snop  }
0x3c: {  	p2 =	seq.s32 s10, $0x1;
	s10 =	sld [smem:$0x3FAD]  }
0x3d: {  	_ =	shalt  }
0x3e: {  	_ =	shalt  }
0x3f: {  	_ =	shalt  }
0x40: {  	_ =	shalt  }
0x41: {  	_ =	shalt  }
0x42: {  	_ =	shalt  }
0x43: {  	_ =	shalt  }
0x44: {  	_ =	shalt  }
0x45: {  	_ =	shalt  }
0x46: {  	_ =	shalt  }
0x47: {  	_ =	shalt  }
0x48: {  	_ =	shalt  }
0x49: {  	_ =	shalt  }
0x4a: {  	_ =	shalt  }
0x4b: {  	_ =	shalt  }
0x4c: {  	_ =	shalt  }
0x4d: {  	_ =	shalt  }
0x4e: {  	_ =	shalt  }
0x4f: {  	_ =	shalt  }
0x50: {  	_ =	shalt  }
0x51: {  	_ =	shalt  }
0x52: {  	_ =	shalt  }
0x53: {  	_ =	shalt  }
0x54: {  	_ =	shalt  }
0x55: {  	_ =	shalt  }
0x56: {  	_ =	shalt  }
0x57: {  	_ =	shalt  }
0x58: {  	_ =	shalt  }
0x59: {  	_ =	shalt  }
0x5a: {  	_ =	shalt  }
0x5b: {  	_ =	shalt  }
0x5c: {  	_ =	shalt  }
0x5d: {  	_ =	shalt  }
0x5e: {  	_ =	shalt  }
0x5f: {  	_ =	shalt  }
0x60: {  	_ =	shalt  }
0x61: {  	_ =	shalt  }
0x62: {  	_ =	shalt  }
0x63: {  	_ =	shalt  }
0x64: {  	_ =	shalt  }
0x65: {  	_ =	shalt  }
0x66: {  	_ =	shalt  }
0x67: {  	_ =	shalt  }
0x68: {  	_ =	shalt  }
0x69: {  	_ =	shalt  }
0x6a: {  	_ =	shalt  }
0x6b: {  	_ =	shalt  }
0x6c: {  	_ =	shalt  }
0x6d: {  	_ =	shalt  }
0x6e: {  	_ =	shalt  }
0x6f: {  	_ =	shalt  }
0x70: {  	_ =	shalt  }
0x71: {  	_ =	shalt  }
0x72: {  	_ =	shalt  }
0x73: {  	_ =	shalt  }
0x74: {  	_ =	shalt  }
0x75: {  	_ =	shalt  }
0x76: {  	_ =	shalt  }
0x77: {  	_ =	shalt  }
0x78: {  	_ =	shalt  }
0x79: {  	_ =	shalt  }
0x7a: {  	_ =	shalt  }
0x7b: {  	_ =	shalt  }
0x7c: {  	_ =	shalt  }
0x7d: {  	_ =	shalt  }
0x7e: {  	_ =	shalt  }
0x7f: {  	_ =	shalt  }
0x80: {  	_ =	shalt  }
0x81: {  	_ =	shalt  }
0x82: {  	_ =	shalt  }
0x83: {  	_ =	shalt  }
0x84: {  	_ =	shalt  }
0x85: {  	_ =	shalt  }
0x86: {  	_ =	shalt  }
0x87: {  	_ =	shalt  }
.Lfunc_end0:
.L_simem_size_0:
called_computation.2_lowered:
.L_overlay_start_0:
0x88: {  	s2 =	sld [smem:$0x3FD9]  }
0x89: {  	s3 =	sld [smem:$0x3FFE];
	_ =	sdelay $0x1  }
0x8a: {  	s1 =	srdreg.scid  }
0x8b: {  	s0 =	sand.u32 $0x1, s1  }
0x8c: {  	s17 =	sshll.u32 s0, $0xA;
	s2 =	sadd.s32 s3, s2  }
0x8d: {  	s2 =	sadd.s32 s2, s17  }
0x8e: {  	[smem:$0x3FB9] =	sst s2  }
0x8f: {  	_ = 	snop  }
0x90: {  	s2 =	sld [smem:$0x3FD0];
	(tm) =	ssettm $0x1  }
0x91: {  	s18 =	sld [smem:$0x3FFB];
	_ =	sdelay $0x3  }
0x92: {  	_ =	strace s18  }
0x93: {  	s3 =	sld [smem:$0x3FFC];
	_ =	sdelay $0x3  }
0x94: {  	_ =	strace s3  }
0x95: {  	s3 =	sld [smem:$0x3FFD];
	_ =	sdelay $0x3  }
0x96: {  	_ =	strace s3  }
0x97: {  	_ =	strace $0x8FFFFFFF  }
0x98: {  	s19 =	sld [smem:$0x3FDB];
	_ =	sdelay $0x1  }
0x99: {  	s4 =	simm.s32 $_scs_section_size  }
0x9a: {  	s5 =	simm.s32 $_size__tile_overlayer_lowered;
	s6 =	simm.s32 $_tile_overlayer_lowered  }
0x9b: {  	s22 =	simm.s32 $0x1BFF;
	s21 =	sshll.u32 s6, $0x1;
	s3 =	sadd.s32 s4, s19  }
0x9c: {  	s7 =	simm.s32 $0x0;
	s20 =	sshll.u32 s5, $0x1;
	s5 =	sadd.s32 s21, s3  }
0x9d: {  	[timem:s7], [sflag:s22] =	dma.local [hbm:s5], s20  }
0x9e: {  	_ =	swait.ge [sflag:s22], s20  }
0x9f: {  	s4 =	ssub.s32 $0x0, s20;
	[sflag:s22] =	ssyncset.done $0x0  }
0xa0: {  	[sflag:s22] =	ssyncadd.s32 s4;
	_ =	sdelay $0x1  }
0xa1: {  	s23 =	simm.s32 $0x1B8B  }
0xa2: {  	_ =	swait.ge [sflag:s23], $0x1  }
0xa3: {  	[sflag:s23] =	ssyncset.done $0x0  }
0xa4: {  	s25 =	simm.s32 $0x1B8E;
	s24 =	sld [smem:$0x3FFE];
	[sflag:s23] =	ssyncadd.s32 $0xFFFFFFFF  }
0xa5: {  	s26 =	simm.s32 $execute0_lowered;
	[smem:$0x3FD2] =	sst s25  }
0xa6: {  	s5 =	sshll.u32 s26, $0x1;
	_ =	strace $0x8000004C;
	[dreg:$0x1] =	wrdreg $0xFFFFFFFF  }
0xa7: {  	s28 =	simm.s32 $_size_execute0_lowered;
	s3 =	sadd.s32 s3, s5;
	[dreg:$0x0] =	wrdreg $0x0  }
0xa8: {  	s5 =	sshll.u32 s28, $0x1;
	[dreg:$0x2] =	wrdreg s3  }
0xa9: {  	[dreg:$0x3] =	wrdreg s5  }
0xaa: {  	[dreg:$0x4] =	wrdreg $0xC0  }
0xab: {  	_ =	task [dreg:s7], $0x5FFFF  }
0xac: {  	[dreg:$0x1] =	wrdreg $0xFFFFFFFF  }
0xad: {  	[dreg:$0x0] =	wrdreg $0x60  }
0xae: {  	[dreg:$0x2] =	wrdreg s24  }
0xaf: {  	[dreg:$0x3] =	wrdreg s2  }
0xb0: {  	[dreg:$0x4] =	wrdreg $0xB5400  }
0xb1: {  	[dreg:$0x5] =	wrdreg $0x9  }
0xb2: {  	_ =	task.clear_ibuf [dreg:s7], $0x6FFFF;
	_ =	strace $0x9000004C  }
0xb3: {  	s29 =	simm.s32 $0x9;
	_ =	strace $0x8000004E  }
0xb4: {  	_ =	swait.ge [sflag:s29], $0x1  }
0xb5: {  	[sflag:s29] =	ssyncadd.s32 $0xFFFFFFFF  }
0xb6: {  	_ =	strace $0x9000004E  }
0xb7: {  	_ =	sfence  }
0xb8: {  	s30 =	sld [smem:$0x0];
	_ =	sdelay $0x2  }
0xb9: {  	s31 =	sshll.u32 s1, $0xD;
	s1 =	sshrl.u32 s1, $0x2  }
0xba: {  	s3 =	sand.u32 $0x4000, s31;
	s1 =	sadd.s32 s1, s30  }
0xbb: {  	s0 =	sor.u32 s3, s0;
	s1 =	sshll.u32 s1, $0x11  }
0xbc: {  	s0 =	sor.u32 s1, s0  }
0xbd: {  	s0 =	sadd.s32 $0x8F2B, s0  }
0xbe: {  	[sflag:s0] =	ssyncadd.remote.s32 $0x1  }
0xbf: {  	_ =	sfence.sel $0xFFFF  }
0xc0: {  	[dreg:$0x0] =	wrdreg $0xFFFFFFFF;
	(pc) =	sbr.abs _section_cstart, $3  }
0xc1: {  	[dreg:$0x1] =	wrdreg $0xFFFFFFFF  }
0xc2: {  	_ =	task.clear_ibuf [dreg:s7], $0x2FFFF;
	_ =	strace $0x9FFFFFFF  }
0xc3: {  	(tm) =	ssettm $0x7FFFFFFF  }
tec
execute0_lowered:
.L_overlay_start_1:
0x0: {  	(tag) =	ssettag $0x1  }
0x1: {  	s5 =	rddreg [dreg:$0x0]  }
0x2: {  	s1 =	srdreg.scid;
	s7 =	rddreg [dreg:$0x1]  }
0x3: {  	s0 =	stileid.u32;
	s2 =	rddreg [dreg:$0x2];
	s3 =	simm.s32 $0x0  }
0x4: {  	s15 =	simm.s32 $0x5140;
	s16 =	simm.s32 $0x1;
	s17 =	simm.s32 $0x68  }
0x5: {  	s18 =	simm.s32 $0x8340;
	s19 =	simm.s32 $0x2;
	s20 =	simm.s32 $0x3  }
0x6: {  	s21 =	simm.s32 $0x2908;
	s22 =	simm.s32 $0xD0;
	s23 =	simm.s32 $0x4  }
0x7: {  	s24 =	simm.s32 $0x0;
	s6 =	sand.u32 $0x1, s1;
	s30 =	sshll.u32 s0, $0x1  }
0x8: {  	s9 =	smul.u32 $0x13880, s0;
	[smem:$0x7FF] =	sst s3;
	s4 =	sadd.s32 $0x43800, s5  }
0x9: {  	s31 =	sshll.u32 s0, $0x6;
	s1 =	sor.u32 s6, s30;
	s10 =	smul.u32 $0x138800, s6  }
0xa: {  	s6 =	ssub.s32 $0x2, s6;
	s8 =	smul.u32 $0x514, s1;
	s1 =	rddreg [dreg:$0x3]  }
0xb: {  	_ =	strace $0x8000004D;
	s12 =	sshrl.u32 s9, $0x3;
	s13 =	sshrl.u32 s6, $0x1  }
0xc: {  	s14 =	sadd.s32 s9, s2;
	s10 =	sadd.s32 s9, s10;
	s12 =	sadd.s32 s12, s5  }
.Ltmp0:
0xd: {  	s13 =	ssub.s32 s6, s13;
	s11 =	sadd.s32 s8, s5;
	(pc) =	sbr.rel .LBB2_1-.Ltmp0, $4  }
0xe: {  	s10 =	sshrl.u32 s10, $0x3;
	s9 =	smax.u32 s13, $0x1;
	s13 =	sshrl.u32 s14, $0x3  }
0xf: {  	s14 =	simm.s32 $0x64;
	s10 =	sadd.s32 s10, s5;
	s5 =	sadd.s32 s7, s8  }
0x10: {  	s6 =	sadd.s32 $0x3200, s11;
	s7 =	sadd.s32 $0x1C600, s12;
	s11 =	simm.s32 $0x28A0  }
0x11: {  	s12 =	sor.u32 $0x1C05, s31;
	s8 =	sadd.s32 $0xDFC00, s10;
	s10 =	simm.s32 $0x5  }
.LBB2_4:
0x12: {  	_ =	swait.ge [sflag:s23], $0x3200  }
0x13: {  	s24 =	sadd.s32 $0x1, s24;
	[sflag:s23] =	ssyncset.done $0x0  }
0x14: {  	p0 =	sne.s32 s24, s9;
	[sflag:s23] =	ssyncadd.s32 $0xFFFFCE00  }
.Ltmp1:
0x15: {  	[bflag:$0x0] =	sbarrier.arrive $0xFFFF;
	(pc) =	sbr.rel @!p0 .LBB2_5-.Ltmp1, $4  }
0x16: {  	[hbm:s8], [sflag:s12] =	dma.local [spmem:s13], $0x2710  }
0x17: {  	_ =	swait.ge [sflag:s10], $0x2710  }
0x18: {  	[sflag:s10] =	ssyncset.done $0x0  }
0x19: {  	[sflag:s10] =	ssyncadd.s32 $0xFFFFD8F0  }
.LBB2_1:
0x1a: {  	[tilespmem:s3], [sflag:$0x5] =	stream.linear.gather [hbm4b:s5+s3], $0x28A0, $0x38;
	[tilespmem:$0x1EDC0] =	vst v63  }
0x1b: {  	_ =	swait.ge [sflag:s10], $0x28A0  }
0x1c: {  	[sflag:s10] =	ssyncset.done $0x0  }
0x1d: {  	[sflag:s10] =	ssyncadd.s32 $0xFFFFD760  }
0x1e: {  	[tilespmem:s11], [sflag:$0x5] =	stream.linear.gather [hbm4b:s6+s3], $0x28A0, $0x38;
	[tilespmem:$0x1EDC0] =	vst v63  }
0x1f: {  	_ =	swait.ge [sflag:s10], $0x28A0  }
0x20: {  	[sflag:s10] =	ssyncset.done $0x0  }
0x21: {  	[sflag:s10] =	ssyncadd.s32 $0xFFFFD760  }
0x22: {  	[spmem:s13], [sflag:s12] =	dma.local [hbm:s7], $0x2710  }
0x23: {  	_ =	swait.ge [sflag:s10], $0x2710  }
0x24: {  	[sflag:s10] =	ssyncset.done $0x0  }
0x25: {  	[sflag:s10] =	ssyncadd.s32 $0xFFFFD8F0  }
0x26: {  	[bflag:$0x0] =	sbarrier.arrive $0xFFFF  }
0x27: {  	[tilespmem:s15], [sflag:$0x1] =	stream.indirect.gather [hbm4b:s4+s14], $0x80, s3, s14, $0xb8;
	[tilespmem:$0x1EDC0] =	vst v63  }
0x28: {  	_ =	swait.ge [sflag:s16], $0x3200  }
0x29: {  	[sflag:s16] =	ssyncset.done $0x0  }
0x2a: {  	[sflag:s16] =	ssyncadd.s32 $0xFFFFCE00  }
0x2b: {  	[tilespmem:s18], [sflag:$0x2] =	stream.indirect.gather [hbm4b:s4+s14], $0x80, s17, s14, $0xb8;
	[tilespmem:$0x1EDC0] =	vst v63  }
0x2c: {  	_ = 	snop  }
0x2d: {  	[spmem:s2] =	stream.indirect.scatter.add.f32 [tilespmem:s15], [sflag:$0x3], $0x80, s11, s14, $0xb8;
	[tilespmem:$0x1EDC0] =	vst v63  }
0x2e: {  	_ =	swait.ge [sflag:s19], $0x3200  }
0x2f: {  	[sflag:s19] =	ssyncset.done $0x0  }
0x30: {  	[sflag:s19] =	ssyncadd.s32 $0xFFFFCE00  }
0x31: {  	_ =	swait.ge [sflag:s20], $0x3200  }
0x32: {  	[sflag:s20] =	ssyncset.done $0x0  }
0x33: {  	[sflag:s20] =	ssyncadd.s32 $0xFFFFCE00  }
0x34: {  	[spmem:s2] =	stream.indirect.scatter.add.f32 [tilespmem:s18], [sflag:$0x4], $0x80, s21, s14, $0xb8;
	[tilespmem:$0x1EDC0] =	vst v63  }
0x35: {  	s25 =	simm.s32 $0xFFFF6400  }
0x36: {  	[tilespmem:s15], [sflag:$0x1] =	stream.indirect.gather [hbm4b:s4+s14], $0x80, s22, s14, $0xb8;
	[tilespmem:$0x1EDC0] =	vst v63  }
.LBB2_2:
0x37: {  	_ =	swait.ge [sflag:s16], $0x3200  }
0x38: {  	[sflag:s16] =	ssyncset.done $0x0  }
0x39: {  	[sflag:s16] =	ssyncadd.s32 $0xFFFFCE00  }
0x3a: {  	_ =	swait.ge [sflag:s23], $0x3200  }
0x3b: {  	s26 =	sshra.s32 s25, $0x2;
	[sflag:s23] =	ssyncset.done $0x0  }
0x3c: {  	s28 =	sadd.s32 $0x2838, s26;
	[sflag:s23] =	ssyncadd.s32 $0xFFFFCE00  }
0x3d: {  	[tilespmem:s18], [sflag:$0x2] =	stream.indirect.gather [hbm4b:s4+s14], $0x80, s28, s14, $0xb8;
	[tilespmem:$0x1EDC0] =	vst v63  }
0x3e: {  	s30 =	sadd.s32 $0x5070, s26  }
0x3f: {  	[spmem:s2] =	stream.indirect.scatter.add.f32 [tilespmem:s15], [sflag:$0x3], $0x80, s30, s14, $0xb8;
	[tilespmem:$0x1EDC0] =	vst v63  }
0x40: {  	_ =	swait.ge [sflag:s19], $0x3200  }
0x41: {  	p0 =	seq.s32 s25, $0x0;
	[sflag:s19] =	ssyncset.done $0x0  }
.Ltmp2:
0x42: {  	[sflag:s19] =	ssyncadd.s32 $0xFFFFCE00;
	(pc) =	sbr.rel @p0 .LBB2_4-.Ltmp2, $4  }
0x43: {  	_ =	swait.ge [sflag:s20], $0x3200  }
0x44: {  	[sflag:s20] =	ssyncset.done $0x0  }
0x45: {  	s31 =	sadd.s32 $0x50D8, s26;
	[sflag:s20] =	ssyncadd.s32 $0xFFFFCE00  }
0x46: {  	[spmem:s2] =	stream.indirect.scatter.add.f32 [tilespmem:s18], [sflag:$0x4], $0x80, s31, s14, $0xb8;
	[tilespmem:$0x1EDC0] =	vst v63  }
.Ltmp3:
0x47: {  	(pc) =	sbr.rel .LBB2_2-.Ltmp3, $3  }
0x48: {  	_ =	sdelay $0x1  }
0x49: {  	s26 =	sadd.s32 $0x28A0, s26;
	s25 =	sadd.s32 $0x340, s25  }
0x4a: {  	[tilespmem:s15], [sflag:$0x1] =	stream.indirect.gather [hbm4b:s4+s14], $0x80, s26, s14, $0xb8;
	[tilespmem:$0x1EDC0] =	vst v63  }
.LBB2_5:
0x4b: {  	_ =	sfence.sel $0x180000  }
0x4c: {  	[bflag:$0x0] =	sbarrier.arrive $0xFFFF  }
0x4d: {  	p0 =	sne.s32 s0, $0x0;
	_ =	strace $0x9000004D  }
0x4e: {  	s0 =	sadd.s32 @!p0 $0x100000, s1;
	[bflag:$0x2] =	sbarrier.arrive $0xFFFF  }
0x4f: {  	[sflag:s0] =	ssyncadd.tile.s32 @!p0 $0x1;
	_ =	shalt  }
.Lfunc_end2:
_tile_overlayer_lowered:
.L_overlay_start_2:
0x50: {  	(tag) =	ssettag $0x2  }
0x51: {  	s0 =	rddreg [dreg:$0x0];
	s2 =	stileid.u32  }
0x52: {  	s1 =	rddreg [dreg:$0x1];
	p0 =	sne.s32 s2, $0x0  }
0x53: {  	s3 =	rddreg [dreg:$0x2];
	[bflag:$0x3] =	sbarrier.arrive $0xFFFF;
	s2 =	simm.s32 @!p0 $0x1C05  }
0x54: {  	[timem:s3], [sflag:s2] =	dma.local @!p0 [hbm:s0], s1  }
0x55: {  	s0 =	simm.s32 @!p0 $0x5  }
0x56: {  	_ =	swait.ge @!p0 [sflag:s0], s1  }
0x57: {  	s1 =	ssub.s32 @!p0 $0x0, s1;
	[sflag:s0] =	ssyncset.done @!p0 $0x0  }
0x58: {  	[sflag:s0] =	ssyncadd.s32 @!p0 s1  }
0x59: {  	[bflag:$0x3] =	sbarrier.arrive $0xFFFF  }
0x5a: {  	_ =	shalt  }

// kernel: kernel.18.cloned.1.call-start
scs
__scs_entry_jumppad:
0x0: {  	(pc) =	sbr.rel $0x88, $3  }
0x1: {  	(tag) =	ssettag $0x0;
	lr =	simm.s32 $0x1  }
0x2: {  	[smem:$0x3F92] =	sst lr;
	_ =	strace $0xD0000000  }
0x3: {  	_ = 	snop  }
0x4: {  	_ = 	snop  }
0x5: {  	_ = 	snop  }
0x6: {  	_ = 	snop  }
0x7: {  	_ = 	snop  }
__scs_overlays_trampoline_lowered:
0x8: {  	[smem:$0x3FA1] =	sst s0  }
0x9: {  	[smem:$0x3FA2] =	sst s1  }
0xa: {  	[smem:$0x3FA3] =	sst s2  }
0xb: {  	[smem:$0x3FA4] =	sst s3  }
0xc: {  	[smem:$0x3FA5] =	sst s4  }
0xd: {  	[smem:$0x3FA6] =	sst s5  }
0xe: {  	[smem:$0x3FA7] =	sst s6  }
0xf: {  	[smem:$0x3FA8] =	sst s7  }
0x10: {  	[smem:$0x3FA9] =	sst s8  }
0x11: {  	[smem:$0x3FAA] =	sst s9;
	s0 =	simm.s32 @!p0 $0x0  }
0x12: {  	s1 =	sld [smem:$0x3F90];
	s0 =	simm.s32 @p0 $0x1  }
0x13: {  	[smem:$0x3FAB] =	sst s0;
	s0 =	simm.s32 @!p1 $0x0  }
0x14: {  	s2 =	sld [smem:$0x3F8F];
	s0 =	simm.s32 @p1 $0x1  }
0x15: {  	[smem:$0x3FAC] =	sst s0;
	s0 =	simm.s32 @!p2 $0x0  }
0x16: {  	s3 =	sld [smem:$0x3FDB];
	s0 =	simm.s32 @p2 $0x1  }
0x17: {  	s4 =	simm.s32 $0x1BF5;
	[smem:$0x3FAE] =	sst s0  }
0x18: {  	s0 =	sld [smem:$0x3F91];
	_ =	swait.ge [sflag:s4], $0x0  }
0x19: {  	s7 =	sld [smem:$0x3F92]  }
0x1a: {  	s8 =	sadd.s32 $0xFFFFE003, lr  }
0x1b: {  	s9 =	sadd.s32 $0xFFFFFEF7, lr;
	s5 =	simm.s32 $0xFFFFFFFF;
	p2 =	slt.u32 s8, $0xFFFFF086  }
0x1c: {  	p1 =	slt.u32 s9, $0xF7A;
	s5 =	simm.s32 @!p2 $0x0  }
0x1d: {  	s5 =	simm.s32 @p1 $0x1;
	p0 =	seq.s32 s7, s2  }
0x1e: {  	s7 =	smul.u32 @!p0 $0xF7A, s2;
	p2 =	seq.s32 @!p0 s5, $0x0  }
0x1f: {  	s9 =	smul.u32 $0xF7A, s1;
	s8 =	simm.s32 @!p0 $0x1BF5;
	p2 =	por !p2, p0  }
0x20: {  	[sflag:s8] =	ssyncset.s32 @!p0 $0xFFFFF086;
	s6 =	sadd.s32 @!p0 s3, s7;
	s7 =	simm.s32 @!p0 $0x108  }
0x21: {  	s3 =	sadd.s32 s3, s9;
	s6 =	sadd.s32 @!p0 $0x88, s6;
	s7 =	simm.s32 @p2 $0x1082  }
0x22: {  	[simem:s7], [sflag:s8] =	dma.local @!p0 [hbm:s6], $0xF7A  }
0x23: {  	s9 =	sor.u32 $0xD0000000, s2;
	s6 =	simm.s32 $0x108;
	_ =	swait.ge @!p0 [sflag:s8], $0x0  }
0x24: {  	s3 =	sadd.s32 $0x88, s3;
	s6 =	simm.s32 @!p1 $0x1082;
	[sflag:s4] =	ssyncset.s32 $0xFFFFF086  }
0x25: {  	[simem:s6], [sflag:s4] =	dma.local [hbm:s3], $0xF7A  }
0x26: {  	[smem:$0x3F92] =	sst s1;
	(tag) =	ssettag s2;
	_ =	strace s9  }
0x27: {  	s1 =	sld [smem:$0x3FA2]  }
0x28: {  	s2 =	sld [smem:$0x3FA3]  }
0x29: {  	s4 =	sld [smem:$0x3FA5]  }
0x2a: {  	p0 =	seq.s32 s5, $0x0;
	s5 =	sld [smem:$0x3FA6]  }
0x2b: {  	s6 =	sld [smem:$0x3FA7]  }
0x2c: {  	s7 =	sld [smem:$0x3FA8]  }
0x2d: {  	s3 =	simm.s32 $0x108;
	s8 =	sld [smem:$0x3FA9]  }
0x2e: {  	s3 =	simm.s32 @!p0 $0x1082;
	s9 =	sld [smem:$0x3FAA]  }
0x2f: {  	lr =	sadd.s32 s0, s3;
	s0 =	sld [smem:$0x3FA1]  }
0x30: {  	s3 =	sld [smem:$0x3FA4]  }
0x31: {  	[smem:$0x3FAD] =	sst s10  }
0x32: {  	s10 =	sld [smem:$0x3FAB];
	_ =	sdelay $0x3  }
0x33: {  	p0 =	seq.s32 s10, $0x1;
	s10 =	sld [smem:$0x3FAD];
	_ =	sdelay $0x3  }
0x34: {  	[smem:$0x3FAD] =	sst s10  }
0x35: {  	s10 =	sld [smem:$0x3FAC];
	_ =	sdelay $0x3  }
0x36: {  	p1 =	seq.s32 s10, $0x1;
	s10 =	sld [smem:$0x3FAD];
	_ =	sdelay $0x3  }
0x37: {  	[smem:$0x3FAD] =	sst s10  }
0x38: {  	s10 =	sld [smem:$0x3FAE]  }
0x39: {  	_ = 	snop;
	(pc) =	sbr.ind lr, $3  }
0x3a: {  	_ = 	snop  }
0x3b: {  	_ = 	snop  }
0x3c: {  	p2 =	seq.s32 s10, $0x1;
	s10 =	sld [smem:$0x3FAD]  }
0x3d: {  	_ =	shalt  }
0x3e: {  	_ =	shalt  }
0x3f: {  	_ =	shalt  }
0x40: {  	_ =	shalt  }
0x41: {  	_ =	shalt  }
0x42: {  	_ =	shalt  }
0x43: {  	_ =	shalt  }
0x44: {  	_ =	shalt  }
0x45: {  	_ =	shalt  }
0x46: {  	_ =	shalt  }
0x47: {  	_ =	shalt  }
0x48: {  	_ =	shalt  }
0x49: {  	_ =	shalt  }
0x4a: {  	_ =	shalt  }
0x4b: {  	_ =	shalt  }
0x4c: {  	_ =	shalt  }
0x4d: {  	_ =	shalt  }
0x4e: {  	_ =	shalt  }
0x4f: {  	_ =	shalt  }
0x50: {  	_ =	shalt  }
0x51: {  	_ =	shalt  }
0x52: {  	_ =	shalt  }
0x53: {  	_ =	shalt  }
0x54: {  	_ =	shalt  }
0x55: {  	_ =	shalt  }
0x56: {  	_ =	shalt  }
0x57: {  	_ =	shalt  }
0x58: {  	_ =	shalt  }
0x59: {  	_ =	shalt  }
0x5a: {  	_ =	shalt  }
0x5b: {  	_ =	shalt  }
0x5c: {  	_ =	shalt  }
0x5d: {  	_ =	shalt  }
0x5e: {  	_ =	shalt  }
0x5f: {  	_ =	shalt  }
0x60: {  	_ =	shalt  }
0x61: {  	_ =	shalt  }
0x62: {  	_ =	shalt  }
0x63: {  	_ =	shalt  }
0x64: {  	_ =	shalt  }
0x65: {  	_ =	shalt  }
0x66: {  	_ =	shalt  }
0x67: {  	_ =	shalt  }
0x68: {  	_ =	shalt  }
0x69: {  	_ =	shalt  }
0x6a: {  	_ =	shalt  }
0x6b: {  	_ =	shalt  }
0x6c: {  	_ =	shalt  }
0x6d: {  	_ =	shalt  }
0x6e: {  	_ =	shalt  }
0x6f: {  	_ =	shalt  }
0x70: {  	_ =	shalt  }
0x71: {  	_ =	shalt  }
0x72: {  	_ =	shalt  }
0x73: {  	_ =	shalt  }
0x74: {  	_ =	shalt  }
0x75: {  	_ =	shalt  }
0x76: {  	_ =	shalt  }
0x77: {  	_ =	shalt  }
0x78: {  	_ =	shalt  }
0x79: {  	_ =	shalt  }
0x7a: {  	_ =	shalt  }
0x7b: {  	_ =	shalt  }
0x7c: {  	_ =	shalt  }
0x7d: {  	_ =	shalt  }
0x7e: {  	_ =	shalt  }
0x7f: {  	_ =	shalt  }
0x80: {  	_ =	shalt  }
0x81: {  	_ =	shalt  }
0x82: {  	_ =	shalt  }
0x83: {  	_ =	shalt  }
0x84: {  	_ =	shalt  }
0x85: {  	_ =	shalt  }
0x86: {  	_ =	shalt  }
0x87: {  	_ =	shalt  }
.Lfunc_end0:
.L_simem_size_0:
called_computation.3_lowered:
.L_overlay_start_0:
0x88: {  	s2 =	sld [smem:$0x3FD9]  }
0x89: {  	s3 =	sld [smem:$0x3FFE];
	_ =	sdelay $0x1  }
0x8a: {  	s1 =	srdreg.scid  }
0x8b: {  	s0 =	sand.u32 $0x1, s1  }
0x8c: {  	s16 =	sshll.u32 s0, $0xA;
	s2 =	sadd.s32 s3, s2  }
0x8d: {  	s2 =	sadd.s32 s2, s16  }
0x8e: {  	[smem:$0x3FB9] =	sst s2  }
0x8f: {  	_ = 	snop  }
0x90: {  	(tm) =	ssettm $0x1  }
0x91: {  	s17 =	sld [smem:$0x3FFB];
	_ =	sdelay $0x3  }
0x92: {  	_ =	strace s17  }
0x93: {  	s2 =	sld [smem:$0x3FFC];
	_ =	sdelay $0x3  }
0x94: {  	_ =	strace s2  }
0x95: {  	s2 =	sld [smem:$0x3FFD];
	_ =	sdelay $0x3  }
0x96: {  	_ =	strace s2  }
0x97: {  	_ =	strace $0x8FFFFFFF  }
0x98: {  	s18 =	sld [smem:$0x3FDB];
	_ =	sdelay $0x1  }
0x99: {  	s19 =	simm.s32 $_scs_section_size  }
0x9a: {  	s4 =	simm.s32 $_size__tile_overlayer_lowered;
	s5 =	simm.s32 $_tile_overlayer_lowered  }
0x9b: {  	s22 =	simm.s32 $0x1BFF;
	s21 =	sshll.u32 s5, $0x1;
	s2 =	sadd.s32 s19, s18  }
0x9c: {  	s6 =	simm.s32 $0x0;
	s20 =	sshll.u32 s4, $0x1;
	s4 =	sadd.s32 s21, s2  }
0x9d: {  	[timem:s6], [sflag:s22] =	dma.local [hbm:s4], s20  }
0x9e: {  	_ =	swait.ge [sflag:s22], s20  }
0x9f: {  	s3 =	ssub.s32 $0x0, s20;
	[sflag:s22] =	ssyncset.done $0x0  }
0xa0: {  	[sflag:s22] =	ssyncadd.s32 s3;
	_ =	sdelay $0x1  }
0xa1: {  	s23 =	simm.s32 $0x1B8B  }
0xa2: {  	_ =	swait.ge [sflag:s23], $0x1  }
0xa3: {  	[sflag:s23] =	ssyncset.done $0x0  }
0xa4: {  	s25 =	simm.s32 $0x1B8E;
	s24 =	sld [smem:$0x3FFE];
	[sflag:s23] =	ssyncadd.s32 $0xFFFFFFFF  }
0xa5: {  	s26 =	simm.s32 $execute0_lowered;
	[smem:$0x3FD2] =	sst s25  }
0xa6: {  	s4 =	sshll.u32 s26, $0x1;
	_ =	strace $0x8000004F;
	[dreg:$0x1] =	wrdreg $0xFFFFFFFF  }
0xa7: {  	s28 =	simm.s32 $_size_execute0_lowered;
	s2 =	sadd.s32 s2, s4;
	[dreg:$0x0] =	wrdreg $0x0  }
0xa8: {  	s4 =	sshll.u32 s28, $0x1;
	[dreg:$0x2] =	wrdreg s2  }
0xa9: {  	[dreg:$0x3] =	wrdreg s4  }
0xaa: {  	[dreg:$0x4] =	wrdreg $0xC0  }
0xab: {  	_ =	task [dreg:s6], $0x5FFFF  }
0xac: {  	[dreg:$0x1] =	wrdreg $0xFFFFFFFF  }
0xad: {  	[dreg:$0x0] =	wrdreg $0x60  }
0xae: {  	[dreg:$0x2] =	wrdreg s24  }
0xaf: {  	[dreg:$0x3] =	wrdreg $0x7EE00  }
0xb0: {  	[dreg:$0x4] =	wrdreg $0x9  }
0xb1: {  	_ =	task.clear_ibuf [dreg:s6], $0x5FFFF;
	_ =	strace $0x9000004F  }
0xb2: {  	s29 =	simm.s32 $0x9;
	_ =	strace $0x80000051  }
0xb3: {  	_ =	swait.ge [sflag:s29], $0x1  }
0xb4: {  	[sflag:s29] =	ssyncadd.s32 $0xFFFFFFFF  }
0xb5: {  	_ =	strace $0x90000051  }
0xb6: {  	_ =	sfence  }
0xb7: {  	s30 =	sld [smem:$0x0];
	_ =	sdelay $0x2  }
0xb8: {  	s31 =	sshll.u32 s1, $0xD;
	s1 =	sshrl.u32 s1, $0x2  }
0xb9: {  	s3 =	sand.u32 $0x4000, s31;
	s1 =	sadd.s32 s1, s30  }
0xba: {  	s0 =	sor.u32 s3, s0;
	s1 =	sshll.u32 s1, $0x11  }
0xbb: {  	s0 =	sor.u32 s1, s0  }
0xbc: {  	s0 =	sadd.s32 $0x8F2B, s0  }
0xbd: {  	[sflag:s0] =	ssyncadd.remote.s32 $0x1  }
0xbe: {  	_ =	sfence.sel $0xFFFF  }
0xbf: {  	[dreg:$0x0] =	wrdreg $0xFFFFFFFF;
	(pc) =	sbr.abs _section_cstart, $3  }
0xc0: {  	[dreg:$0x1] =	wrdreg $0xFFFFFFFF  }
0xc1: {  	_ =	task.clear_ibuf [dreg:s6], $0x2FFFF;
	_ =	strace $0x9FFFFFFF  }
0xc2: {  	(tm) =	ssettm $0x7FFFFFFF  }
0xc3: {  	_ =	shalt  }
tec
execute0_lowered:
.L_overlay_start_1:
0x0: {  	(tag) =	ssettag $0x1  }
0x1: {  	s1 =	srdreg.scid;
	s6 =	rddreg [dreg:$0x0]  }
0x2: {  	s0 =	stileid.u32;
	s2 =	rddreg [dreg:$0x1];
	s3 =	simm.s32 $0x0  }
0x3: {  	s14 =	simm.s32 $0x7D;
	s15 =	simm.s32 $0x5000;
	s16 =	simm.s32 $0x1  }
0x4: {  	s17 =	simm.s32 $0x80;
	s18 =	simm.s32 $0x6770;
	s19 =	simm.s32 $0x2  }
0x5: {  	s20 =	simm.s32 $0x3;
	s21 =	simm.s32 $0x2880;
	s22 =	simm.s32 $0x100  }
0x6: {  	s23 =	simm.s32 $0x4;
	s24 =	simm.s32 $0x0;
	s5 =	sand.u32 $0x1, s1  }
0x7: {  	s31 =	sshll.u32 s0, $0x1;
	s8 =	smul.u32 $0x7530, s0;
	[smem:$0x7FF] =	sst s3  }
0x8: {  	s4 =	sadd.s32 $0x74A00, s6;
	s12 =	sshll.u32 s0, $0x6;
	s1 =	sor.u32 s5, s31  }
0x9: {  	s9 =	smul.u32 $0x75300, s5;
	s5 =	ssub.s32 $0x2, s5;
	s12 =	sor.u32 $0x1C05, s12  }
0xa: {  	s7 =	smul.u32 $0x500, s1;
	s1 =	rddreg [dreg:$0x2];
	_ =	strace $0x80000050  }
0xb: {  	s10 =	sshrl.u32 s8, $0x3;
	s11 =	sshrl.u32 s5, $0x1;
	s13 =	sadd.s32 s8, s2  }
.Ltmp0:
0xc: {  	s9 =	sadd.s32 s8, s9;
	s10 =	sadd.s32 s10, s6;
	(pc) =	sbr.rel .LBB2_1-.Ltmp0, $4  }
0xd: {  	s11 =	ssub.s32 s5, s11;
	s7 =	sadd.s32 s7, s6;
	s9 =	sshrl.u32 s9, $0x3  }
0xe: {  	s13 =	sshrl.u32 s13, $0x3;
	s9 =	sadd.s32 s9, s6;
	s5 =	sadd.s32 $0x6AA00, s7  }
0xf: {  	s6 =	sadd.s32 $0xD600, s7;
	s7 =	sadd.s32 $0x17600, s10;
	s10 =	simm.s32 $0x5  }
0x10: {  	s8 =	sadd.s32 $0x26200, s9;
	s9 =	smax.u32 s11, $0x1;
	s11 =	simm.s32 $0x2800  }
.LBB2_4:
0x11: {  	_ =	swait.ge [sflag:s23], $0x1770  }
0x12: {  	s24 =	sadd.s32 $0x1, s24;
	[sflag:s23] =	ssyncset.done $0x0  }
0x13: {  	p0 =	sne.s32 s24, s9;
	[sflag:s23] =	ssyncadd.s32 $0xFFFFE890  }
.Ltmp1:
0x14: {  	[bflag:$0x0] =	sbarrier.arrive $0xFFFF;
	(pc) =	sbr.rel @!p0 .LBB2_5-.Ltmp1, $4  }
0x15: {  	[hbm:s8], [sflag:s12] =	dma.local [spmem:s13], $0xEA6  }
0x16: {  	_ =	swait.ge [sflag:s10], $0xEA6  }
0x17: {  	[sflag:s10] =	ssyncset.done $0x0  }
0x18: {  	[sflag:s10] =	ssyncadd.s32 $0xFFFFF15A  }
.LBB2_1:
0x19: {  	[tilespmem:s3], [sflag:$0x5] =	stream.linear.gather [hbm4b:s5+s3], $0x2800, $0x38;
	[tilespmem:$0xF410] =	vst v63  }
0x1a: {  	_ =	swait.ge [sflag:s10], $0x2800  }
0x1b: {  	[sflag:s10] =	ssyncset.done $0x0  }
0x1c: {  	[sflag:s10] =	ssyncadd.s32 $0xFFFFD800  }
0x1d: {  	[tilespmem:s11], [sflag:$0x5] =	stream.linear.gather [hbm4b:s6+s3], $0x2800, $0x38;
	[tilespmem:$0xF410] =	vst v63  }
0x1e: {  	_ =	swait.ge [sflag:s10], $0x2800  }
0x1f: {  	[sflag:s10] =	ssyncset.done $0x0  }
0x20: {  	[sflag:s10] =	ssyncadd.s32 $0xFFFFD800  }
0x21: {  	[spmem:s13], [sflag:s12] =	dma.local [hbm:s7], $0xEA6  }
0x22: {  	_ =	swait.ge [sflag:s10], $0xEA6  }
0x23: {  	[sflag:s10] =	ssyncset.done $0x0  }
0x24: {  	[sflag:s10] =	ssyncadd.s32 $0xFFFFF15A  }
0x25: {  	[bflag:$0x0] =	sbarrier.arrive $0xFFFF  }
0x26: {  	[tilespmem:s15], [sflag:$0x1] =	stream.indirect.gather [hbm4b:s4+s14], $0x30, s3, s14, $0xb8;
	[tilespmem:$0xF410] =	vst v63  }
0x27: {  	_ =	swait.ge [sflag:s16], $0x1770  }
0x28: {  	[sflag:s16] =	ssyncset.done $0x0  }
0x29: {  	[sflag:s16] =	ssyncadd.s32 $0xFFFFE890  }
0x2a: {  	[tilespmem:s18], [sflag:$0x2] =	stream.indirect.gather [hbm4b:s4+s14], $0x30, s17, s14, $0xb8;
	[tilespmem:$0xF410] =	vst v63  }
0x2b: {  	_ = 	snop  }
0x2c: {  	[spmem:s2] =	stream.indirect.scatter.add.f32 [tilespmem:s15], [sflag:$0x3], $0x30, s11, s14, $0xb8;
	[tilespmem:$0xF410] =	vst v63  }
0x2d: {  	_ =	swait.ge [sflag:s19], $0x1770  }
0x2e: {  	[sflag:s19] =	ssyncset.done $0x0  }
0x2f: {  	[sflag:s19] =	ssyncadd.s32 $0xFFFFE890  }
0x30: {  	_ =	swait.ge [sflag:s20], $0x1770  }
0x31: {  	[sflag:s20] =	ssyncset.done $0x0  }
0x32: {  	[sflag:s20] =	ssyncadd.s32 $0xFFFFE890  }
0x33: {  	[spmem:s2] =	stream.indirect.scatter.add.f32 [tilespmem:s18], [sflag:$0x4], $0x30, s21, s14, $0xb8;
	[tilespmem:$0xF410] =	vst v63  }
0x34: {  	s25 =	simm.s32 $0xFFFF6800  }
0x35: {  	[tilespmem:s15], [sflag:$0x1] =	stream.indirect.gather [hbm4b:s4+s14], $0x30, s22, s14, $0xb8;
	[tilespmem:$0xF410] =	vst v63  }
.LBB2_2:
0x36: {  	_ =	swait.ge [sflag:s16], $0x1770  }
0x37: {  	[sflag:s16] =	ssyncset.done $0x0  }
0x38: {  	[sflag:s16] =	ssyncadd.s32 $0xFFFFE890  }
0x39: {  	_ =	swait.ge [sflag:s23], $0x1770  }
0x3a: {  	s26 =	sshra.s32 s25, $0x2;
	[sflag:s23] =	ssyncset.done $0x0  }
0x3b: {  	s28 =	sadd.s32 $0x2780, s26;
	[sflag:s23] =	ssyncadd.s32 $0xFFFFE890  }
0x3c: {  	[tilespmem:s18], [sflag:$0x2] =	stream.indirect.gather [hbm4b:s4+s14], $0x30, s28, s14, $0xb8;
	[tilespmem:$0xF410] =	vst v63  }
0x3d: {  	s30 =	sadd.s32 $0x4F00, s26  }
0x3e: {  	[spmem:s2] =	stream.indirect.scatter.add.f32 [tilespmem:s15], [sflag:$0x3], $0x30, s30, s14, $0xb8;
	[tilespmem:$0xF410] =	vst v63  }
0x3f: {  	_ =	swait.ge [sflag:s19], $0x1770  }
0x40: {  	p0 =	seq.s32 s25, $0x0;
	[sflag:s19] =	ssyncset.done $0x0  }
.Ltmp2:
0x41: {  	[sflag:s19] =	ssyncadd.s32 $0xFFFFE890;
	(pc) =	sbr.rel @p0 .LBB2_4-.Ltmp2, $4  }
0x42: {  	_ =	swait.ge [sflag:s20], $0x1770  }
0x43: {  	[sflag:s20] =	ssyncset.done $0x0  }
0x44: {  	s31 =	sadd.s32 $0x4F80, s26;
	[sflag:s20] =	ssyncadd.s32 $0xFFFFE890  }
0x45: {  	[spmem:s2] =	stream.indirect.scatter.add.f32 [tilespmem:s18], [sflag:$0x4], $0x30, s31, s14, $0xb8;
	[tilespmem:$0xF410] =	vst v63  }
.Ltmp3:
0x46: {  	(pc) =	sbr.rel .LBB2_2-.Ltmp3, $3  }
0x47: {  	_ =	sdelay $0x1  }
0x48: {  	s26 =	sadd.s32 $0x2800, s26;
	s25 =	sadd.s32 $0x400, s25  }
0x49: {  	[tilespmem:s15], [sflag:$0x1] =	stream.indirect.gather [hbm4b:s4+s14], $0x30, s26, s14, $0xb8;
	[tilespmem:$0xF410] =	vst v63  }
.LBB2_5:
0x4a: {  	_ =	sfence.sel $0x180000  }
0x4b: {  	[bflag:$0x0] =	sbarrier.arrive $0xFFFF  }
0x4c: {  	p0 =	sne.s32 s0, $0x0;
	_ =	strace $0x90000050  }
0x4d: {  	s0 =	sadd.s32 @!p0 $0x100000, s1;
	[bflag:$0x2] =	sbarrier.arrive $0xFFFF  }
0x4e: {  	[sflag:s0] =	ssyncadd.tile.s32 @!p0 $0x1;
	_ =	shalt  }
.Lfunc_end2:
_tile_overlayer_lowered:
.L_overlay_start_2:
0x4f: {  	(tag) =	ssettag $0x2  }
0x50: {  	s0 =	rddreg [dreg:$0x0];
	s2 =	stileid.u32  }
0x51: {  	s1 =	rddreg [dreg:$0x1];
	p0 =	sne.s32 s2, $0x0  }
0x52: {  	s3 =	rddreg [dreg:$0x2];
	[bflag:$0x3] =	sbarrier.arrive $0xFFFF;
	s2 =	simm.s32 @!p0 $0x1C05  }
0x53: {  	[timem:s3], [sflag:s2] =	dma.local @!p0 [hbm:s0], s1  }
0x54: {  	s0 =	simm.s32 @!p0 $0x5  }
0x55: {  	_ =	swait.ge @!p0 [sflag:s0], s1  }
0x56: {  	s1 =	ssub.s32 @!p0 $0x0, s1;
	[sflag:s0] =	ssyncset.done @!p0 $0x0  }
0x57: {  	[sflag:s0] =	ssyncadd.s32 @!p0 s1  }
0x58: {  	[bflag:$0x3] =	sbarrier.arrive $0xFFFF  }
0x59: {  	_ =	shalt  }

// kernel: kernel.9.cloned.1.call-start
scs
__scs_entry_jumppad:
0x0: {  	(pc) =	sbr.rel $0x88, $3  }
0x1: {  	(tag) =	ssettag $0x0;
	lr =	simm.s32 $0x1  }
0x2: {  	[smem:$0x3F92] =	sst lr;
	_ =	strace $0xD0000000  }
0x3: {  	_ = 	snop  }
0x4: {  	_ = 	snop  }
0x5: {  	_ = 	snop  }
0x6: {  	_ = 	snop  }
0x7: {  	_ = 	snop  }
__scs_overlays_trampoline_lowered:
0x8: {  	[smem:$0x3FA1] =	sst s0  }
0x9: {  	[smem:$0x3FA2] =	sst s1  }
0xa: {  	[smem:$0x3FA3] =	sst s2  }
0xb: {  	[smem:$0x3FA4] =	sst s3  }
0xc: {  	[smem:$0x3FA5] =	sst s4  }
0xd: {  	[smem:$0x3FA6] =	sst s5  }
0xe: {  	[smem:$0x3FA7] =	sst s6  }
0xf: {  	[smem:$0x3FA8] =	sst s7  }
0x10: {  	[smem:$0x3FA9] =	sst s8  }
0x11: {  	[smem:$0x3FAA] =	sst s9;
	s0 =	simm.s32 @!p0 $0x0  }
0x12: {  	s1 =	sld [smem:$0x3F90];
	s0 =	simm.s32 @p0 $0x1  }
0x13: {  	[smem:$0x3FAB] =	sst s0;
	s0 =	simm.s32 @!p1 $0x0  }
0x14: {  	s2 =	sld [smem:$0x3F8F];
	s0 =	simm.s32 @p1 $0x1  }
0x15: {  	[smem:$0x3FAC] =	sst s0;
	s0 =	simm.s32 @!p2 $0x0  }
0x16: {  	s3 =	sld [smem:$0x3FDB];
	s0 =	simm.s32 @p2 $0x1  }
0x17: {  	s4 =	simm.s32 $0x1BF5;
	[smem:$0x3FAE] =	sst s0  }
0x18: {  	s0 =	sld [smem:$0x3F91];
	_ =	swait.ge [sflag:s4], $0x0  }
0x19: {  	s7 =	sld [smem:$0x3F92]  }
0x1a: {  	s8 =	sadd.s32 $0xFFFFE003, lr  }
0x1b: {  	s9 =	sadd.s32 $0xFFFFFEF7, lr;
	s5 =	simm.s32 $0xFFFFFFFF;
	p2 =	slt.u32 s8, $0xFFFFF086  }
0x1c: {  	p1 =	slt.u32 s9, $0xF7A;
	s5 =	simm.s32 @!p2 $0x0  }
0x1d: {  	s5 =	simm.s32 @p1 $0x1;
	p0 =	seq.s32 s7, s2  }
0x1e: {  	s7 =	smul.u32 @!p0 $0xF7A, s2;
	p2 =	seq.s32 @!p0 s5, $0x0  }
0x1f: {  	s9 =	smul.u32 $0xF7A, s1;
	s8 =	simm.s32 @!p0 $0x1BF5;
	p2 =	por !p2, p0  }
0x20: {  	[sflag:s8] =	ssyncset.s32 @!p0 $0xFFFFF086;
	s6 =	sadd.s32 @!p0 s3, s7;
	s7 =	simm.s32 @!p0 $0x108  }
0x21: {  	s3 =	sadd.s32 s3, s9;
	s6 =	sadd.s32 @!p0 $0x88, s6;
	s7 =	simm.s32 @p2 $0x1082  }
0x22: {  	[simem:s7], [sflag:s8] =	dma.local @!p0 [hbm:s6], $0xF7A  }
0x23: {  	s9 =	sor.u32 $0xD0000000, s2;
	s6 =	simm.s32 $0x108;
	_ =	swait.ge @!p0 [sflag:s8], $0x0  }
0x24: {  	s3 =	sadd.s32 $0x88, s3;
	s6 =	simm.s32 @!p1 $0x1082;
	[sflag:s4] =	ssyncset.s32 $0xFFFFF086  }
0x25: {  	[simem:s6], [sflag:s4] =	dma.local [hbm:s3], $0xF7A  }
0x26: {  	[smem:$0x3F92] =	sst s1;
	(tag) =	ssettag s2;
	_ =	strace s9  }
0x27: {  	s1 =	sld [smem:$0x3FA2]  }
0x28: {  	s2 =	sld [smem:$0x3FA3]  }
0x29: {  	s4 =	sld [smem:$0x3FA5]  }
0x2a: {  	p0 =	seq.s32 s5, $0x0;
	s5 =	sld [smem:$0x3FA6]  }
0x2b: {  	s6 =	sld [smem:$0x3FA7]  }
0x2c: {  	s7 =	sld [smem:$0x3FA8]  }
0x2d: {  	s3 =	simm.s32 $0x108;
	s8 =	sld [smem:$0x3FA9]  }
0x2e: {  	s3 =	simm.s32 @!p0 $0x1082;
	s9 =	sld [smem:$0x3FAA]  }
0x2f: {  	lr =	sadd.s32 s0, s3;
	s0 =	sld [smem:$0x3FA1]  }
0x30: {  	s3 =	sld [smem:$0x3FA4]  }
0x31: {  	[smem:$0x3FAD] =	sst s10  }
0x32: {  	s10 =	sld [smem:$0x3FAB];
	_ =	sdelay $0x3  }
0x33: {  	p0 =	seq.s32 s10, $0x1;
	s10 =	sld [smem:$0x3FAD];
	_ =	sdelay $0x3  }
0x34: {  	[smem:$0x3FAD] =	sst s10  }
0x35: {  	s10 =	sld [smem:$0x3FAC];
	_ =	sdelay $0x3  }
0x36: {  	p1 =	seq.s32 s10, $0x1;
	s10 =	sld [smem:$0x3FAD];
	_ =	sdelay $0x3  }
0x37: {  	[smem:$0x3FAD] =	sst s10  }
0x38: {  	s10 =	sld [smem:$0x3FAE]  }
0x39: {  	_ = 	snop;
	(pc) =	sbr.ind lr, $3  }
0x3a: {  	_ = 	snop  }
0x3b: {  	_ = 	snop  }
0x3c: {  	p2 =	seq.s32 s10, $0x1;
	s10 =	sld [smem:$0x3FAD]  }
0x3d: {  	_ =	shalt  }
0x3e: {  	_ =	shalt  }
0x3f: {  	_ =	shalt  }
0x40: {  	_ =	shalt  }
0x41: {  	_ =	shalt  }
0x42: {  	_ =	shalt  }
0x43: {  	_ =	shalt  }
0x44: {  	_ =	shalt  }
0x45: {  	_ =	shalt  }
0x46: {  	_ =	shalt  }
0x47: {  	_ =	shalt  }
0x48: {  	_ =	shalt  }
0x49: {  	_ =	shalt  }
0x4a: {  	_ =	shalt  }
0x4b: {  	_ =	shalt  }
0x4c: {  	_ =	shalt  }
0x4d: {  	_ =	shalt  }
0x4e: {  	_ =	shalt  }
0x4f: {  	_ =	shalt  }
0x50: {  	_ =	shalt  }
0x51: {  	_ =	shalt  }
0x52: {  	_ =	shalt  }
0x53: {  	_ =	shalt  }
0x54: {  	_ =	shalt  }
0x55: {  	_ =	shalt  }
0x56: {  	_ =	shalt  }
0x57: {  	_ =	shalt  }
0x58: {  	_ =	shalt  }
0x59: {  	_ =	shalt  }
0x5a: {  	_ =	shalt  }
0x5b: {  	_ =	shalt  }
0x5c: {  	_ =	shalt  }
0x5d: {  	_ =	shalt  }
0x5e: {  	_ =	shalt  }
0x5f: {  	_ =	shalt  }
0x60: {  	_ =	shalt  }
0x61: {  	_ =	shalt  }
0x62: {  	_ =	shalt  }
0x63: {  	_ =	shalt  }
0x64: {  	_ =	shalt  }
0x65: {  	_ =	shalt  }
0x66: {  	_ =	shalt  }
0x67: {  	_ =	shalt  }
0x68: {  	_ =	shalt  }
0x69: {  	_ =	shalt  }
0x6a: {  	_ =	shalt  }
0x6b: {  	_ =	shalt  }
0x6c: {  	_ =	shalt  }
0x6d: {  	_ =	shalt  }
0x6e: {  	_ =	shalt  }
0x6f: {  	_ =	shalt  }
0x70: {  	_ =	shalt  }
0x71: {  	_ =	shalt  }
0x72: {  	_ =	shalt  }
0x73: {  	_ =	shalt  }
0x74: {  	_ =	shalt  }
0x75: {  	_ =	shalt  }
0x76: {  	_ =	shalt  }
0x77: {  	_ =	shalt  }
0x78: {  	_ =	shalt  }
0x79: {  	_ =	shalt  }
0x7a: {  	_ =	shalt  }
0x7b: {  	_ =	shalt  }
0x7c: {  	_ =	shalt  }
0x7d: {  	_ =	shalt  }
0x7e: {  	_ =	shalt  }
0x7f: {  	_ =	shalt  }
0x80: {  	_ =	shalt  }
0x81: {  	_ =	shalt  }
0x82: {  	_ =	shalt  }
0x83: {  	_ =	shalt  }
0x84: {  	_ =	shalt  }
0x85: {  	_ =	shalt  }
0x86: {  	_ =	shalt  }
0x87: {  	_ =	shalt  }
.Lfunc_end0:
.L_simem_size_0:
called_computation_lowered:
.L_overlay_start_0:
0x88: {  	s2 =	sld [smem:$0x3FD9]  }
0x89: {  	s3 =	sld [smem:$0x3FFE];
	_ =	sdelay $0x1  }
0x8a: {  	s1 =	srdreg.scid  }
0x8b: {  	s0 =	sand.u32 $0x1, s1  }
0x8c: {  	s16 =	sshll.u32 s0, $0xA;
	s2 =	sadd.s32 s3, s2  }
0x8d: {  	s2 =	sadd.s32 s2, s16  }
0x8e: {  	[smem:$0x3FB9] =	sst s2  }
0x8f: {  	_ = 	snop  }
0x90: {  	(tm) =	ssettm $0x1  }
0x91: {  	s17 =	sld [smem:$0x3FFB];
	_ =	sdelay $0x3  }
0x92: {  	_ =	strace s17  }
0x93: {  	s2 =	sld [smem:$0x3FFC];
	_ =	sdelay $0x3  }
0x94: {  	_ =	strace s2  }
0x95: {  	s2 =	sld [smem:$0x3FFD];
	_ =	sdelay $0x3  }
0x96: {  	_ =	strace s2  }
0x97: {  	_ =	strace $0x8FFFFFFF  }
0x98: {  	s18 =	sld [smem:$0x3FDB];
	_ =	sdelay $0x1  }
0x99: {  	s19 =	simm.s32 $_scs_section_size  }
0x9a: {  	s4 =	simm.s32 $_size__tile_overlayer_lowered;
	s5 =	simm.s32 $_tile_overlayer_lowered  }
0x9b: {  	s22 =	simm.s32 $0x1BFF;
	s21 =	sshll.u32 s5, $0x1;
	s2 =	sadd.s32 s19, s18  }
0x9c: {  	s6 =	simm.s32 $0x0;
	s20 =	sshll.u32 s4, $0x1;
	s4 =	sadd.s32 s21, s2  }
0x9d: {  	[timem:s6], [sflag:s22] =	dma.local [hbm:s4], s20  }
0x9e: {  	_ =	swait.ge [sflag:s22], s20  }
0x9f: {  	s3 =	ssub.s32 $0x0, s20;
	[sflag:s22] =	ssyncset.done $0x0  }
0xa0: {  	[sflag:s22] =	ssyncadd.s32 s3;
	_ =	sdelay $0x1  }
0xa1: {  	s23 =	simm.s32 $0x1B8B  }
0xa2: {  	_ =	swait.ge [sflag:s23], $0x1  }
0xa3: {  	[sflag:s23] =	ssyncset.done $0x0  }
0xa4: {  	s25 =	simm.s32 $0x1B8E;
	s24 =	sld [smem:$0x3FFE];
	[sflag:s23] =	ssyncadd.s32 $0xFFFFFFFF  }
0xa5: {  	s26 =	simm.s32 $execute0_lowered;
	[smem:$0x3FD2] =	sst s25  }
0xa6: {  	s4 =	sshll.u32 s26, $0x1;
	_ =	strace $0x80000046;
	[dreg:$0x1] =	wrdreg $0xFFFFFFFF  }
0xa7: {  	s28 =	simm.s32 $_size_execute0_lowered;
	s2 =	sadd.s32 s2, s4;
	[dreg:$0x0] =	wrdreg $0x0  }
0xa8: {  	s4 =	sshll.u32 s28, $0x1;
	[dreg:$0x2] =	wrdreg s2  }
0xa9: {  	[dreg:$0x3] =	wrdreg s4  }
0xaa: {  	[dreg:$0x4] =	wrdreg $0xC0  }
0xab: {  	_ =	task [dreg:s6], $0x5FFFF  }
0xac: {  	[dreg:$0x1] =	wrdreg $0xFFFFFFFF  }
0xad: {  	[dreg:$0x0] =	wrdreg $0x60  }
0xae: {  	[dreg:$0x2] =	wrdreg s24  }
0xaf: {  	[dreg:$0x3] =	wrdreg $0x2EE00  }
0xb0: {  	[dreg:$0x4] =	wrdreg $0x9  }
0xb1: {  	_ =	task.clear_ibuf [dreg:s6], $0x5FFFF;
	_ =	strace $0x90000046  }
0xb2: {  	s29 =	simm.s32 $0x9;
	_ =	strace $0x80000048  }
0xb3: {  	_ =	swait.ge [sflag:s29], $0x1  }
0xb4: {  	[sflag:s29] =	ssyncadd.s32 $0xFFFFFFFF  }
0xb5: {  	_ =	strace $0x90000048  }
0xb6: {  	_ =	sfence  }
0xb7: {  	s30 =	sld [smem:$0x0];
	_ =	sdelay $0x2  }
0xb8: {  	s31 =	sshll.u32 s1, $0xD;
	s1 =	sshrl.u32 s1, $0x2  }
0xb9: {  	s3 =	sand.u32 $0x4000, s31;
	s1 =	sadd.s32 s1, s30  }
0xba: {  	s0 =	sor.u32 s3, s0;
	s1 =	sshll.u32 s1, $0x11  }
0xbb: {  	s0 =	sor.u32 s1, s0  }
0xbc: {  	s0 =	sadd.s32 $0x8F2B, s0  }
0xbd: {  	[sflag:s0] =	ssyncadd.remote.s32 $0x1  }
0xbe: {  	_ =	sfence.sel $0xFFFF  }
0xbf: {  	[dreg:$0x0] =	wrdreg $0xFFFFFFFF;
	(pc) =	sbr.abs _section_cstart, $3  }
0xc0: {  	[dreg:$0x1] =	wrdreg $0xFFFFFFFF  }
0xc1: {  	_ =	task.clear_ibuf [dreg:s6], $0x2FFFF;
	_ =	strace $0x9FFFFFFF  }
0xc2: {  	(tm) =	ssettm $0x7FFFFFFF  }
0xc3: {  	_ =	shalt  }
tec
execute0_lowered:
.L_overlay_start_1:
0x0: {  	(tag) =	ssettag $0x1  }
0x1: {  	s1 =	srdreg.scid;
	s5 =	rddreg [dreg:$0x0]  }
0x2: {  	s0 =	stileid.u32;
	s2 =	rddreg [dreg:$0x1]  }
0x3: {  	s3 =	simm.s32 $0x0;
	s13 =	simm.s32 $0x64;
	s14 =	simm.s32 $0x1  }
0x4: {  	s15 =	simm.s32 $0x0;
	s4 =	sand.u32 $0x1, s1;
	s30 =	sshll.u32 s0, $0x1  }
0x5: {  	s7 =	smul.u32 $0x2710, s0;
	[smem:$0x7FF] =	sst s3;
	s31 =	sshll.u32 s0, $0x6  }
0x6: {  	s1 =	sor.u32 s4, s30;
	s8 =	smul.u32 $0x27100, s4;
	s10 =	ssub.s32 $0x2, s4  }
0x7: {  	s4 =	sadd.s32 $0x12600, s5;
	s6 =	smul.u32 $0x514, s1;
	s1 =	rddreg [dreg:$0x2]  }
0x8: {  	_ =	strace $0x80000047;
	s9 =	sshrl.u32 s7, $0x3;
	s11 =	sshrl.u32 s10, $0x1  }
0x9: {  	s12 =	sadd.s32 s7, s2;
	s9 =	sadd.s32 s9, s5;
	s8 =	sadd.s32 s7, s8  }
0xa: {  	s10 =	ssub.s32 s10, s11;
	s11 =	sor.u32 $0x1C02, s31;
	s8 =	sshrl.u32 s8, $0x3  }
0xb: {  	s12 =	sshrl.u32 s12, $0x3;
	s6 =	sadd.s32 s6, s5;
	s8 =	sadd.s32 s8, s5  }
0xc: {  	s5 =	sadd.s32 $0x3200, s6;
	s6 =	sadd.s32 $0xD600, s9;
	s9 =	simm.s32 $0x2  }
0xd: {  	s7 =	sadd.s32 $0x12800, s8;
	s8 =	smax.u32 s10, $0x1;
	s10 =	simm.s32 $0x28A0  }
.LBB2_1:
0xe: {  	[tilespmem:s3], [sflag:$0x2] =	stream.linear.gather [hbm4b:s5+s3], $0x28A0, $0x38;
	[tilespmem:$0x55F0] =	vst v63  }
0xf: {  	_ =	swait.ge [sflag:s9], $0x28A0  }
0x10: {  	[sflag:s9] =	ssyncset.done $0x0  }
0x11: {  	[sflag:s9] =	ssyncadd.s32 $0xFFFFD760  }
0x12: {  	[tilespmem:s10], [sflag:$0x2] =	stream.linear.gather [hbm4b:s4+s3], $0x640, $0x38;
	[tilespmem:$0x55F0] =	vst v63  }
0x13: {  	_ =	swait.ge [sflag:s9], $0x640  }
0x14: {  	[sflag:s9] =	ssyncset.done $0x0  }
0x15: {  	[sflag:s9] =	ssyncadd.s32 $0xFFFFF9C0  }
0x16: {  	[spmem:s12], [sflag:s11] =	dma.local [hbm:s6], $0x4E2  }
0x17: {  	_ =	swait.ge [sflag:s9], $0x4E2  }
0x18: {  	[sflag:s9] =	ssyncset.done $0x0  }
0x19: {  	p0 =	por $0x1, $0x1;
	[sflag:s9] =	ssyncadd.s32 $0xFFFFFB1E  }
0x1a: {  	s18 =	simm.s32 @!p0 $0x1;
	[bflag:$0x0] =	sbarrier.arrive $0xFFFF  }
0x1b: {  	[spmem:s2] =	stream.indirect.scatter.add.f32 [tilespmem:s10], [sflag:$0x1], $0x10, s3, s13, $0xb8;
	[tilespmem:$0x55F0] =	vst v63  }
0x1c: {  	_ =	swait.ge @!p0 [sflag:s18], $0x640  }
0x1d: {  	s16 =	simm.s32 $0x1;
	s17 =	simm.s32 $0x0;
	[sflag:s18] =	ssyncset.done @!p0 $0x0  }
.LBB2_2:
0x1e: {  	[sflag:s18] =	ssyncadd.s32 @!p0 $0xFFFFF9C0  }
0x1f: {  	s17 =	sadd.s32 $0x68, s17;
	s18 =	smov.u32 s16;
	s16 =	sadd.s32 $0x1, s16  }
0x20: {  	p1 =	sne.s32 s16, $0x64  }
0x21: {  	[spmem:s2] =	stream.indirect.scatter.add.f32 [tilespmem:s10], [sflag:$0x1], $0x10, s17, s13, $0xb8;
	[tilespmem:$0x55F0] =	vst v63  }
.Ltmp0:
0x22: {  	_ = 	snop;
	(pc) =	sbr.rel @p1 .LBB2_2-.Ltmp0, $4  }
0x23: {  	p0 =	slt.u32 s18, $0x8  }
0x24: {  	s18 =	simm.s32 @!p0 $0x1  }
0x25: {  	_ =	swait.ge @!p0 [sflag:s18], $0x640  }
0x26: {  	[sflag:s18] =	ssyncset.done @!p0 $0x0  }
0x27: {  	[sflag:s18] =	ssyncadd.s32 @!p0 $0xFFFFF9C0  }
0x28: {  	_ =	swait.ge [sflag:s14], $0x640  }
0x29: {  	[sflag:s14] =	ssyncset.done $0x0  }
0x2a: {  	[sflag:s14] =	ssyncadd.s32 $0xFFFFF9C0  }
0x2b: {  	_ =	swait.ge [sflag:s14], $0x640  }
0x2c: {  	[sflag:s14] =	ssyncset.done $0x0  }
0x2d: {  	[sflag:s14] =	ssyncadd.s32 $0xFFFFF9C0  }
0x2e: {  	_ =	swait.ge [sflag:s14], $0x640  }
0x2f: {  	[sflag:s14] =	ssyncset.done $0x0  }
0x30: {  	[sflag:s14] =	ssyncadd.s32 $0xFFFFF9C0  }
0x31: {  	_ =	swait.ge [sflag:s14], $0x640  }
0x32: {  	[sflag:s14] =	ssyncset.done $0x0  }
0x33: {  	[sflag:s14] =	ssyncadd.s32 $0xFFFFF9C0  }
0x34: {  	_ =	swait.ge [sflag:s14], $0x640  }
0x35: {  	[sflag:s14] =	ssyncset.done $0x0  }
0x36: {  	[sflag:s14] =	ssyncadd.s32 $0xFFFFF9C0  }
0x37: {  	_ =	swait.ge [sflag:s14], $0x640  }
0x38: {  	[sflag:s14] =	ssyncset.done $0x0  }
0x39: {  	[sflag:s14] =	ssyncadd.s32 $0xFFFFF9C0  }
0x3a: {  	_ =	swait.ge [sflag:s14], $0x640  }
0x3b: {  	[sflag:s14] =	ssyncset.done $0x0  }
0x3c: {  	[sflag:s14] =	ssyncadd.s32 $0xFFFFF9C0  }
0x3d: {  	_ =	swait.ge [sflag:s14], $0x640  }
0x3e: {  	s15 =	sadd.s32 $0x1, s15;
	[sflag:s14] =	ssyncset.done $0x0  }
0x3f: {  	p0 =	sne.s32 s15, s8;
	[sflag:s14] =	ssyncadd.s32 $0xFFFFF9C0  }
.Ltmp1:
0x40: {  	[bflag:$0x0] =	sbarrier.arrive $0xFFFF;
	(pc) =	sbr.rel @p0 .LBB2_1-.Ltmp1, $4  }
0x41: {  	[hbm:s7], [sflag:s11] =	dma.local [spmem:s12], $0x4E2  }
0x42: {  	_ =	swait.ge [sflag:s9], $0x4E2  }
0x43: {  	[sflag:s9] =	ssyncset.done $0x0  }
0x44: {  	[sflag:s9] =	ssyncadd.s32 $0xFFFFFB1E  }
0x45: {  	_ =	sfence.sel $0x180000  }
0x46: {  	[bflag:$0x0] =	sbarrier.arrive $0xFFFF  }
0x47: {  	p0 =	sne.s32 s0, $0x0;
	_ =	strace $0x90000047  }
0x48: {  	s0 =	sadd.s32 @!p0 $0x100000, s1;
	[bflag:$0x2] =	sbarrier.arrive $0xFFFF  }
0x49: {  	[sflag:s0] =	ssyncadd.tile.s32 @!p0 $0x1;
	_ =	shalt  }
.Lfunc_end2:
_tile_overlayer_lowered:
.L_overlay_start_2:
0x4a: {  	(tag) =	ssettag $0x2  }
0x4b: {  	s0 =	rddreg [dreg:$0x0];
	s2 =	stileid.u32  }
0x4c: {  	s1 =	rddreg [dreg:$0x1];
	p0 =	sne.s32 s2, $0x0  }
0x4d: {  	s3 =	rddreg [dreg:$0x2];
	[bflag:$0x3] =	sbarrier.arrive $0xFFFF;
	s2 =	simm.s32 @!p0 $0x1C02  }
0x4e: {  	[timem:s3], [sflag:s2] =	dma.local @!p0 [hbm:s0], s1  }
0x4f: {  	s0 =	simm.s32 @!p0 $0x2  }
0x50: {  	_ =	swait.ge @!p0 [sflag:s0], s1  }
0x51: {  	s1 =	ssub.s32 @!p0 $0x0, s1;
	[sflag:s0] =	ssyncset.done @!p0 $0x0  }
0x52: {  	[sflag:s0] =	ssyncadd.s32 @!p0 s1  }
0x53: {  	[bflag:$0x3] =	sbarrier.arrive $0xFFFF  }
0x54: {  	_ =	shalt  }

</sc_bundles>
